<compile_context>
chip_gen: v7x
topology: tpu7x:2x2x1
jax: 0.10.2.dev20260603
libtpu: 0.0.44.dev20260713+nightly
codegen_flags: <defaults>
</compile_context>

<pallas_src>
import functools
import math

import jax
import jax.numpy as jnp
import numpy as np
from jax import lax
from jax.experimental import pallas as pl
from jax.experimental.pallas import tpu as pltpu
from jax.experimental.pallas import tpu_sc as plsc

VOCAB = 1_000_000
D = 64
B = 4096
S = 200
NC = 2
NS = 16
NW = NC * NS
SEQS_PER_W = B // NW
SPLIT = 96
NBUF = 4
LOOKAHEAD = 2
LANES = 16


def _positional_table() -> np.ndarray:
    dims = np.arange(0, D, 2, dtype=np.float32)
    freq = np.exp(dims * (-math.log(10000.0) / D))
    pos = np.arange(S, dtype=np.float32)[:, None]
    pe = np.zeros((S, D), dtype=np.float32)
    pe[:, 0::2] = np.sin(pos * freq)
    pe[:, 1::2] = np.cos(pos * freq)
    return pe


_PE = _positional_table()

_mesh = plsc.VectorSubcoreMesh(core_axis_name="c", subcore_axis_name="s")


@functools.partial(
    pl.kernel,
    out_type=jax.ShapeDtypeStruct((B, S, D), jnp.float32),
    mesh=_mesh,
    compiler_params=pltpu.CompilerParams(use_tc_tiling_on_sc=False),
    scratch_types=[
        pltpu.VMEM((SEQS_PER_W, S), jnp.int32),
        pltpu.VMEM((S, D), jnp.float32),
        pltpu.VMEM((S, D), jnp.float32),
        pltpu.VMEM((S, D), jnp.float32),
        pltpu.VMEM((S, D), jnp.float32),
        pltpu.VMEM((S, D), jnp.float32),
        pltpu.SemaphoreType.DMA,
        pltpu.SemaphoreType.DMA,
        pltpu.SemaphoreType.DMA,
        pltpu.SemaphoreType.DMA,
        pltpu.SemaphoreType.DMA,
        pltpu.SemaphoreType.DMA,
        pltpu.SemaphoreType.DMA,
        pltpu.SemaphoreType.DMA,
    ],
)
def _embed_kernel(x_hbm, table_hbm, pe_hbm, out_hbm, idx_v, pe_v,
                  b0, b1, b2, b3, g0, g1, g2, g3, s0, s1, s2, s3):
    bufs = (b0, b1, b2, b3)
    gsems = (g0, g1, g2, g3)
    ssems = (s0, s1, s2, s3)

    wid = lax.axis_index("s") * NC + lax.axis_index("c")
    base_seq = wid * SEQS_PER_W

    pltpu.sync_copy(x_hbm.at[pl.ds(base_seq, SEQS_PER_W)], idx_v)
    pltpu.sync_copy(pe_hbm, pe_v)

    def start_gather(c, slot):
        pltpu.async_copy(table_hbm.at[idx_v.at[c, pl.ds(0, SPLIT)]],
                         bufs[slot].at[pl.ds(0, SPLIT)], gsems[slot])
        pltpu.async_copy(table_hbm.at[idx_v.at[c, pl.ds(SPLIT, S - SPLIT)]],
                         bufs[slot].at[pl.ds(SPLIT, S - SPLIT)], gsems[slot])

    def wait_gather(slot):
        pltpu.make_async_copy(table_hbm.at[pl.ds(0, S)], bufs[slot],
                              gsems[slot]).wait()

    def start_scatter(c, slot):
        pltpu.async_copy(bufs[slot], out_hbm.at[base_seq + c], ssems[slot])

    def wait_scatter(slot):
        pltpu.make_async_copy(bufs[slot], out_hbm.at[0], ssems[slot]).wait()

    def add_pe(slot):
        buf = bufs[slot]

        @plsc.parallel_loop(0, S, unroll=4)
        def _row(r):
            for j in range(D // LANES):
                sl = pl.ds(j * LANES, LANES)
                plsc.addupdate(buf.at[r, sl], pe_v[r, sl])

    for p in range(LOOKAHEAD):
        start_gather(p, p)

    @pl.loop(0, SEQS_PER_W, step=NBUF)
    def _group(g):
        for b in range(NBUF):
            c = g + b
            slot_la = (b + LOOKAHEAD) % NBUF
            c_la = c + LOOKAHEAD

            @pl.when(c_la >= NBUF)
            def _():
                wait_scatter(slot_la)

            @pl.when(c_la < SEQS_PER_W)
            def _():
                start_gather(c_la, slot_la)

            wait_gather(b)
            add_pe(b)
            start_scatter(c, b)

    for c in range(SEQS_PER_W - LOOKAHEAD, SEQS_PER_W):
        wait_scatter(c % NBUF)


def kernel(x, table):
    return _embed_kernel(x.astype(jnp.int32), table, jnp.asarray(_PE))

# --- scband reference (transcript-rebuilt; emitter-appended) ---
"""Pipeline reference for scband-positional-word-embedding-25443386261820 (READ-ONLY COPY).

The authoritative reference and input builder live on the scoring server;
editing this copy changes nothing except your own understanding.
"""

import jax, jax.numpy as jnp
import numpy as np
import math

VOCAB_SIZE = 1000000
EMB_DIM = 64
BATCH = 4096
SEQ_LEN = 200

def setup_inputs(seed: int = 0) -> dict:
    key = jax.random.key(seed)
    k1, k2 = jax.random.split(key)
    x = jax.random.randint(k1, (BATCH, SEQ_LEN), 0, VOCAB_SIZE, dtype=jnp.int64 if jax.config.jax_enable_x64 else jnp.int32)
    table = jax.random.normal(k2, (VOCAB_SIZE, EMB_DIM), dtype=jnp.float32) * 0.02
    return {"x": x, "table": table}

def _positional_embedding(seq_len, emb_dim, batch):
    dimensions = jnp.arange(0, emb_dim, 2, dtype=jnp.float32)
    frequency = jnp.exp(dimensions * (-math.log(10000.0) / emb_dim))
    pos = jnp.arange(0, seq_len, dtype=jnp.float32)[:, None]
    pe = jnp.zeros((seq_len, emb_dim), dtype=jnp.float32)
    pe = pe.at[:, 0::2].set(jnp.sin(pos * frequency))
    pe = pe.at[:, 1::2].set(jnp.cos(pos * frequency))
    return jnp.broadcast_to(pe[None, :, :], (batch, seq_len, emb_dim))

def reference(x, table):
    batch, seq_len = x.shape
    emb_dim = table.shape[1]
    word_emb = jnp.take(table, x, axis=0)
    pos_emb = _positional_embedding(seq_len, emb_dim, batch)
    return word_emb + pos_emb

if __name__ == "__main__":
    import jax
    _d = setup_inputs()
    print(jax.jit(kernel)(*tuple(_d.values())))

</pallas_src>

<mosaic_0001>
#map = affine_map<(d0, d1) -> (0, 0)>
#map1 = affine_map<(d0, d1) -> (0, 0, 0)>
module attributes {stable_mosaic.version = 14 : i64} {
  func.func @_embed_kernel(%arg0: i32, %arg1: i32, %arg2: memref<4096x200xi32, #tpu.memory_space<hbm>>, %arg3: memref<1000000x64xf32, #tpu.memory_space<hbm>>, %arg4: memref<200x64xf32, #tpu.memory_space<hbm>>, %arg5: memref<4096x200x64xf32, #tpu.memory_space<hbm>>, %arg6: memref<128x200xi32, #tpu.memory_space<vmem>>, %arg7: memref<200x64xf32, #tpu.memory_space<vmem>>, %arg8: memref<200x64xf32, #tpu.memory_space<vmem>>, %arg9: memref<200x64xf32, #tpu.memory_space<vmem>>, %arg10: memref<200x64xf32, #tpu.memory_space<vmem>>, %arg11: memref<200x64xf32, #tpu.memory_space<vmem>>, %arg12: memref<!tpu.dma_semaphore, #tpu.memory_space<semaphore_mem>>, %arg13: memref<!tpu.dma_semaphore, #tpu.memory_space<semaphore_mem>>, %arg14: memref<!tpu.dma_semaphore, #tpu.memory_space<semaphore_mem>>, %arg15: memref<!tpu.dma_semaphore, #tpu.memory_space<semaphore_mem>>, %arg16: memref<!tpu.dma_semaphore, #tpu.memory_space<semaphore_mem>>, %arg17: memref<!tpu.dma_semaphore, #tpu.memory_space<semaphore_mem>>, %arg18: memref<!tpu.dma_semaphore, #tpu.memory_space<semaphore_mem>>, %arg19: memref<!tpu.dma_semaphore, #tpu.memory_space<semaphore_mem>>) attributes {dimension_semantics = [#tpu.dimension_semantics<core_parallel>, #tpu.dimension_semantics<subcore_parallel>], iteration_bounds = array<i64: 2, 16>, scalar_prefetch = 0 : i64, scratch_operands = 14 : i64, tpu.core_type = #tpu.core_type<sc_vector_subcore>, window_params = [{transform_indices = #map}, {transform_indices = #map}, {transform_indices = #map}, {transform_indices = #map1}]} {
    %mul3A = arith.constant 2 : i32
    %mul3A_0 = arith.muli %arg1, %mul3A : i32
    %add3A = arith.addi %mul3A_0, %arg0 : i32
    %mul3A_1 = arith.constant 128 : i32
    %mul3A_2 = arith.muli %add3A, %mul3A_1 : i32
    "tpu.region"() ({
      %run_scoped3A = tpu.sem_alloc : memref<!tpu.dma_semaphore, #tpu.memory_space<semaphore_mem>>
      %dma_start3A_63 = arith.constant 0 : i32
      %dma_start3A_64 = tpu.memref_slice %arg2[%mul3A_2, %dma_start3A_63] : memref<4096x200xi32, #tpu.memory_space<hbm>> -> memref<128x200xi32, #tpu.memory_space<hbm>>
      %dma_start3A_65 = arith.constant 0 : i32
      %dma_start3A_66 = tpu.memref_slice %arg2[%mul3A_2, %dma_start3A_65] : memref<4096x200xi32, #tpu.memory_space<hbm>> -> memref<128x200xi32, #tpu.memory_space<hbm>>
      tpu.enqueue_dma source(%dma_start3A_66 : memref<128x200xi32, #tpu.memory_space<hbm>>) target(%arg6 : memref<128x200xi32, #tpu.memory_space<vmem>>) target_semaphore(%run_scoped3A : memref<!tpu.dma_semaphore, #tpu.memory_space<semaphore_mem>>)
      %dma_wait3A_67 = arith.constant 0 : i32
      %dma_wait3A_68 = tpu.memref_slice %arg2[%mul3A_2, %dma_wait3A_67] : memref<4096x200xi32, #tpu.memory_space<hbm>> -> memref<128x200xi32, #tpu.memory_space<hbm>>
      %dma_wait3A_69 = arith.constant 0 : i32
      %dma_wait3A_70 = tpu.memref_slice %arg2[%mul3A_2, %dma_wait3A_69] : memref<4096x200xi32, #tpu.memory_space<hbm>> -> memref<128x200xi32, #tpu.memory_space<hbm>>
      tpu.wait_dma2 semaphore(%run_scoped3A : memref<!tpu.dma_semaphore, #tpu.memory_space<semaphore_mem>>) src(%dma_wait3A_70 : memref<128x200xi32, #tpu.memory_space<hbm>>) dst(%arg6 : memref<128x200xi32, #tpu.memory_space<vmem>>)
      tpu.yield
    }) : () -> ()
    "tpu.region"() ({
      %run_scoped3A = tpu.sem_alloc : memref<!tpu.dma_semaphore, #tpu.memory_space<semaphore_mem>>
      tpu.enqueue_dma source(%arg4 : memref<200x64xf32, #tpu.memory_space<hbm>>) target(%arg7 : memref<200x64xf32, #tpu.memory_space<vmem>>) target_semaphore(%run_scoped3A : memref<!tpu.dma_semaphore, #tpu.memory_space<semaphore_mem>>)
      tpu.wait_dma2 semaphore(%run_scoped3A : memref<!tpu.dma_semaphore, #tpu.memory_space<semaphore_mem>>) src(%arg4 : memref<200x64xf32, #tpu.memory_space<hbm>>) dst(%arg7 : memref<200x64xf32, #tpu.memory_space<vmem>>)
      tpu.yield
    }) : () -> ()
    %dma_start3A = arith.constant 0 : i32
    %dma_start3A_3 = arith.constant 0 : i32
    %dma_start3A_4 = arith.constant 0 : i32
    %dma_start3A_5 = tpu.memref_slice %arg8[%dma_start3A_3, %dma_start3A_4] : memref<200x64xf32, #tpu.memory_space<vmem>> -> memref<96x64xf32, #tpu.memory_space<vmem>>
    %dma_start3A_6 = arith.constant 0 : i32
    %dma_start3A_7 = tpu.memref_slice %arg6[%dma_start3A, %dma_start3A_6] : memref<128x200xi32, #tpu.memory_space<vmem>> -> memref<1x96xi32, #tpu.memory_space<vmem>>
    %dma_start3A_8 = tpu.memref_squeeze %dma_start3A_7 : memref<1x96xi32, #tpu.memory_space<vmem>> -> memref<96xi32, #tpu.memory_space<vmem>>
    %dma_start3A_9 = arith.constant 0 : i32
    %dma_start3A_10 = arith.constant 0 : i32
    %dma_start3A_11 = tpu.memref_slice %arg3[%dma_start3A_9, %dma_start3A_10] : memref<1000000x64xf32, #tpu.memory_space<hbm>> -> memref<1000000x64xf32, #tpu.memory_space<hbm>>
    tpu.enqueue_indirect_dma source(%dma_start3A_11 : memref<1000000x64xf32, #tpu.memory_space<hbm>>) target(%dma_start3A_5 : memref<96x64xf32, #tpu.memory_space<vmem>>) offsets(%dma_start3A_8 : memref<96xi32, #tpu.memory_space<vmem>>) semaphore(%arg12 : memref<!tpu.dma_semaphore, #tpu.memory_space<semaphore_mem>>)
    %dma_start3A_12 = arith.constant 0 : i32
    %dma_start3A_13 = arith.constant 96 : i32
    %dma_start3A_14 = arith.constant 0 : i32
    %dma_start3A_15 = tpu.memref_slice %arg8[%dma_start3A_13, %dma_start3A_14] : memref<200x64xf32, #tpu.memory_space<vmem>> -> memref<104x64xf32, #tpu.memory_space<vmem>>
    %dma_start3A_16 = arith.constant 96 : i32
    %dma_start3A_17 = tpu.memref_slice %arg6[%dma_start3A_12, %dma_start3A_16] : memref<128x200xi32, #tpu.memory_space<vmem>> -> memref<1x104xi32, #tpu.memory_space<vmem>>
    %dma_start3A_18 = tpu.memref_squeeze %dma_start3A_17 : memref<1x104xi32, #tpu.memory_space<vmem>> -> memref<104xi32, #tpu.memory_space<vmem>>
    %dma_start3A_19 = arith.constant 0 : i32
    %dma_start3A_20 = arith.constant 0 : i32
    %dma_start3A_21 = tpu.memref_slice %arg3[%dma_start3A_19, %dma_start3A_20] : memref<1000000x64xf32, #tpu.memory_space<hbm>> -> memref<1000000x64xf32, #tpu.memory_space<hbm>>
    tpu.enqueue_indirect_dma source(%dma_start3A_21 : memref<1000000x64xf32, #tpu.memory_space<hbm>>) target(%dma_start3A_15 : memref<104x64xf32, #tpu.memory_space<vmem>>) offsets(%dma_start3A_18 : memref<104xi32, #tpu.memory_space<vmem>>) semaphore(%arg12 : memref<!tpu.dma_semaphore, #tpu.memory_space<semaphore_mem>>)
    %dma_start3A_22 = arith.constant 1 : i32
    %dma_start3A_23 = arith.constant 0 : i32
    %dma_start3A_24 = arith.constant 0 : i32
    %dma_start3A_25 = tpu.memref_slice %arg9[%dma_start3A_23, %dma_start3A_24] : memref<200x64xf32, #tpu.memory_space<vmem>> -> memref<96x64xf32, #tpu.memory_space<vmem>>
    %dma_start3A_26 = arith.constant 0 : i32
    %dma_start3A_27 = tpu.memref_slice %arg6[%dma_start3A_22, %dma_start3A_26] : memref<128x200xi32, #tpu.memory_space<vmem>> -> memref<1x96xi32, #tpu.memory_space<vmem>>
    %dma_start3A_28 = tpu.memref_squeeze %dma_start3A_27 : memref<1x96xi32, #tpu.memory_space<vmem>> -> memref<96xi32, #tpu.memory_space<vmem>>
    %dma_start3A_29 = arith.constant 0 : i32
    %dma_start3A_30 = arith.constant 0 : i32
    %dma_start3A_31 = tpu.memref_slice %arg3[%dma_start3A_29, %dma_start3A_30] : memref<1000000x64xf32, #tpu.memory_space<hbm>> -> memref<1000000x64xf32, #tpu.memory_space<hbm>>
    tpu.enqueue_indirect_dma source(%dma_start3A_31 : memref<1000000x64xf32, #tpu.memory_space<hbm>>) target(%dma_start3A_25 : memref<96x64xf32, #tpu.memory_space<vmem>>) offsets(%dma_start3A_28 : memref<96xi32, #tpu.memory_space<vmem>>) semaphore(%arg13 : memref<!tpu.dma_semaphore, #tpu.memory_space<semaphore_mem>>)
    %dma_start3A_32 = arith.constant 1 : i32
    %dma_start3A_33 = arith.constant 96 : i32
    %dma_start3A_34 = arith.constant 0 : i32
    %dma_start3A_35 = tpu.memref_slice %arg9[%dma_start3A_33, %dma_start3A_34] : memref<200x64xf32, #tpu.memory_space<vmem>> -> memref<104x64xf32, #tpu.memory_space<vmem>>
    %dma_start3A_36 = arith.constant 96 : i32
    %dma_start3A_37 = tpu.memref_slice %arg6[%dma_start3A_32, %dma_start3A_36] : memref<128x200xi32, #tpu.memory_space<vmem>> -> memref<1x104xi32, #tpu.memory_space<vmem>>
    %dma_start3A_38 = tpu.memref_squeeze %dma_start3A_37 : memref<1x104xi32, #tpu.memory_space<vmem>> -> memref<104xi32, #tpu.memory_space<vmem>>
    %dma_start3A_39 = arith.constant 0 : i32
    %dma_start3A_40 = arith.constant 0 : i32
    %dma_start3A_41 = tpu.memref_slice %arg3[%dma_start3A_39, %dma_start3A_40] : memref<1000000x64xf32, #tpu.memory_space<hbm>> -> memref<1000000x64xf32, #tpu.memory_space<hbm>>
    tpu.enqueue_indirect_dma source(%dma_start3A_41 : memref<1000000x64xf32, #tpu.memory_space<hbm>>) target(%dma_start3A_35 : memref<104x64xf32, #tpu.memory_space<vmem>>) offsets(%dma_start3A_38 : memref<104xi32, #tpu.memory_space<vmem>>) semaphore(%arg13 : memref<!tpu.dma_semaphore, #tpu.memory_space<semaphore_mem>>)
    %scan3A = arith.constant 0 : i32
    %scan3A_42 = arith.constant 32 : i32
    %scan3A_43 = arith.addi %scan3A, %scan3A_42 : i32
    %scan3A_44 = arith.constant 1 : i32
    scf.for %scan3A_63 = %scan3A to %scan3A_43 step %scan3A_44  : i32 {
      %mul3A_64 = arith.constant 4 : i32
      %mul3A_65 = arith.muli %scan3A_63, %mul3A_64 : i32
      %add3A_66 = arith.constant 0 : i32
      %add3A_67 = arith.addi %add3A_66, %mul3A_65 : i32
      %add3A_68 = arith.constant 0 : i32
      %add3A_69 = arith.addi %add3A_67, %add3A_68 : i32
      %add3A_70 = arith.constant 2 : i32
      %add3A_71 = arith.addi %add3A_69, %add3A_70 : i32
      %ge3A = arith.constant 4 : i32
      %ge3A_72 = arith.cmpi sge, %add3A_71, %ge3A : i32
      %convert_element_type3A = arith.extui %ge3A_72 : i1 to i32
      %cond3A = arith.constant 0 : i32
      %cond3A_73 = arith.cmpi ne, %convert_element_type3A, %cond3A : i32
      scf.if %cond3A_73 {
        %dma_wait3A_191 = arith.constant 0 : i32
        %dma_wait3A_192 = arith.constant 0 : i32
        %dma_wait3A_193 = arith.constant 0 : i32
        %dma_wait3A_194 = tpu.memref_slice %arg5[%dma_wait3A_191, %dma_wait3A_192, %dma_wait3A_193] : memref<4096x200x64xf32, #tpu.memory_space<hbm>> -> memref<1x200x64xf32, #tpu.memory_space<hbm>>
        %dma_wait3A_195 = tpu.memref_squeeze %dma_wait3A_194 : memref<1x200x64xf32, #tpu.memory_space<hbm>> -> memref<200x64xf32, #tpu.memory_space<hbm>>
        %dma_wait3A_196 = arith.constant 0 : i32
        %dma_wait3A_197 = arith.constant 0 : i32
        %dma_wait3A_198 = tpu.memref_slice %arg5[%dma_wait3A_191, %dma_wait3A_196, %dma_wait3A_197] : memref<4096x200x64xf32, #tpu.memory_space<hbm>> -> memref<1x200x64xf32, #tpu.memory_space<hbm>>
        %dma_wait3A_199 = tpu.memref_squeeze %dma_wait3A_198 : memref<1x200x64xf32, #tpu.memory_space<hbm>> -> memref<200x64xf32, #tpu.memory_space<hbm>>
        tpu.wait_dma2 semaphore(%arg18 : memref<!tpu.dma_semaphore, #tpu.memory_space<semaphore_mem>>) src(%arg10 : memref<200x64xf32, #tpu.memory_space<vmem>>) dst(%dma_wait3A_199 : memref<200x64xf32, #tpu.memory_space<hbm>>)
      } else {
      }
      %lt3A = arith.constant 128 : i32
      %lt3A_74 = arith.cmpi slt, %add3A_71, %lt3A : i32
      %convert_element_type3A_75 = arith.extui %lt3A_74 : i1 to i32
      %cond3A_76 = arith.constant 0 : i32
      %cond3A_77 = arith.cmpi ne, %convert_element_type3A_75, %cond3A_76 : i32
      scf.if %cond3A_77 {
        %dma_start3A_191 = arith.constant 0 : i32
        %dma_start3A_192 = arith.constant 0 : i32
        %dma_start3A_193 = tpu.memref_slice %arg10[%dma_start3A_191, %dma_start3A_192] : memref<200x64xf32, #tpu.memory_space<vmem>> -> memref<96x64xf32, #tpu.memory_space<vmem>>
        %dma_start3A_194 = arith.constant 0 : i32
        %dma_start3A_195 = tpu.memref_slice %arg6[%add3A_71, %dma_start3A_194] : memref<128x200xi32, #tpu.memory_space<vmem>> -> memref<1x96xi32, #tpu.memory_space<vmem>>
        %dma_start3A_196 = tpu.memref_squeeze %dma_start3A_195 : memref<1x96xi32, #tpu.memory_space<vmem>> -> memref<96xi32, #tpu.memory_space<vmem>>
        %dma_start3A_197 = arith.constant 0 : i32
        %dma_start3A_198 = arith.constant 0 : i32
        %dma_start3A_199 = tpu.memref_slice %arg3[%dma_start3A_197, %dma_start3A_198] : memref<1000000x64xf32, #tpu.memory_space<hbm>> -> memref<1000000x64xf32, #tpu.memory_space<hbm>>
        tpu.enqueue_indirect_dma source(%dma_start3A_199 : memref<1000000x64xf32, #tpu.memory_space<hbm>>) target(%dma_start3A_193 : memref<96x64xf32, #tpu.memory_space<vmem>>) offsets(%dma_start3A_196 : memref<96xi32, #tpu.memory_space<vmem>>) semaphore(%arg14 : memref<!tpu.dma_semaphore, #tpu.memory_space<semaphore_mem>>)
        %dma_start3A_200 = arith.constant 96 : i32
        %dma_start3A_201 = arith.constant 0 : i32
        %dma_start3A_202 = tpu.memref_slice %arg10[%dma_start3A_200, %dma_start3A_201] : memref<200x64xf32, #tpu.memory_space<vmem>> -> memref<104x64xf32, #tpu.memory_space<vmem>>
        %dma_start3A_203 = arith.constant 96 : i32
        %dma_start3A_204 = tpu.memref_slice %arg6[%add3A_71, %dma_start3A_203] : memref<128x200xi32, #tpu.memory_space<vmem>> -> memref<1x104xi32, #tpu.memory_space<vmem>>
        %dma_start3A_205 = tpu.memref_squeeze %dma_start3A_204 : memref<1x104xi32, #tpu.memory_space<vmem>> -> memref<104xi32, #tpu.memory_space<vmem>>
        %dma_start3A_206 = arith.constant 0 : i32
        %dma_start3A_207 = arith.constant 0 : i32
        %dma_start3A_208 = tpu.memref_slice %arg3[%dma_start3A_206, %dma_start3A_207] : memref<1000000x64xf32, #tpu.memory_space<hbm>> -> memref<1000000x64xf32, #tpu.memory_space<hbm>>
        tpu.enqueue_indirect_dma source(%dma_start3A_208 : memref<1000000x64xf32, #tpu.memory_space<hbm>>) target(%dma_start3A_202 : memref<104x64xf32, #tpu.memory_space<vmem>>) offsets(%dma_start3A_205 : memref<104xi32, #tpu.memory_space<vmem>>) semaphore(%arg14 : memref<!tpu.dma_semaphore, #tpu.memory_space<semaphore_mem>>)
      } else {
      }
      %dma_wait3A_78 = arith.constant 0 : i32
      %dma_wait3A_79 = arith.constant 0 : i32
      %dma_wait3A_80 = tpu.memref_slice %arg3[%dma_wait3A_78, %dma_wait3A_79] : memref<1000000x64xf32, #tpu.memory_space<hbm>> -> memref<200x64xf32, #tpu.memory_space<hbm>>
      %dma_wait3A_81 = arith.constant 0 : i32
      %dma_wait3A_82 = arith.constant 0 : i32
      %dma_wait3A_83 = tpu.memref_slice %arg3[%dma_wait3A_81, %dma_wait3A_82] : memref<1000000x64xf32, #tpu.memory_space<hbm>> -> memref<200x64xf32, #tpu.memory_space<hbm>>
      tpu.wait_dma2 semaphore(%arg12 : memref<!tpu.dma_semaphore, #tpu.memory_space<semaphore_mem>>) src(%dma_wait3A_83 : memref<200x64xf32, #tpu.memory_space<hbm>>) dst(%arg8 : memref<200x64xf32, #tpu.memory_space<vmem>>)
      %parallel_loop3A = arith.constant 0 : i32
      %parallel_loop3A_84 = arith.constant 200 : i32
      %parallel_loop3A_85 = arith.constant 1 : i32
      scf.for %parallel_loop3A_191 = %parallel_loop3A to %parallel_loop3A_84 step %parallel_loop3A_85  : i32 {
        %parallel_loop3A_192 = arith.index_cast %parallel_loop3A_191 : i32 to index
        %parallel_loop3A_193 = arith.constant 0 : index
        %parallel_loop3A_194 = tpu.vector_load %arg7[%parallel_loop3A_192, %parallel_loop3A_193] {strides = array<i32>} : memref<200x64xf32, #tpu.memory_space<vmem>>, vector<1x16xf32>,
        %parallel_loop3A_195 = vector.shape_cast %parallel_loop3A_194 : vector<1x16xf32> to vector<16xf32>
        %parallel_loop3A_196 = arith.index_cast %parallel_loop3A_191 : i32 to index
        %parallel_loop3A_197 = arith.constant 0 : index
        %parallel_loop3A_198 = tpu.vector_load %arg8[%parallel_loop3A_196, %parallel_loop3A_197] {strides = array<i32>} : memref<200x64xf32, #tpu.memory_space<vmem>>, vector<1x16xf32>,
        %parallel_loop3A_199 = vector.shape_cast %parallel_loop3A_198 : vector<1x16xf32> to vector<16xf32>
        %parallel_loop3A_200 = vector.shape_cast %parallel_loop3A_195 : vector<16xf32> to vector<1x16xf32>
        tpu.vector_store %arg8[%parallel_loop3A_196, %parallel_loop3A_197], %parallel_loop3A_200 {add = true, strides = array<i32>} : memref<200x64xf32, #tpu.memory_space<vmem>>, vector<1x16xf32>,
        %parallel_loop3A_201 = arith.index_cast %parallel_loop3A_191 : i32 to index
        %parallel_loop3A_202 = arith.constant 16 : index
        %parallel_loop3A_203 = tpu.vector_load %arg7[%parallel_loop3A_201, %parallel_loop3A_202] {strides = array<i32>} : memref<200x64xf32, #tpu.memory_space<vmem>>, vector<1x16xf32>,
        %parallel_loop3A_204 = vector.shape_cast %parallel_loop3A_203 : vector<1x16xf32> to vector<16xf32>
        %parallel_loop3A_205 = arith.index_cast %parallel_loop3A_191 : i32 to index
        %parallel_loop3A_206 = arith.constant 16 : index
        %parallel_loop3A_207 = tpu.vector_load %arg8[%parallel_loop3A_205, %parallel_loop3A_206] {strides = array<i32>} : memref<200x64xf32, #tpu.memory_space<vmem>>, vector<1x16xf32>,
        %parallel_loop3A_208 = vector.shape_cast %parallel_loop3A_207 : vector<1x16xf32> to vector<16xf32>
        %parallel_loop3A_209 = vector.shape_cast %parallel_loop3A_204 : vector<16xf32> to vector<1x16xf32>
        tpu.vector_store %arg8[%parallel_loop3A_205, %parallel_loop3A_206], %parallel_loop3A_209 {add = true, strides = array<i32>} : memref<200x64xf32, #tpu.memory_space<vmem>>, vector<1x16xf32>,
        %parallel_loop3A_210 = arith.index_cast %parallel_loop3A_191 : i32 to index
        %parallel_loop3A_211 = arith.constant 32 : index
        %parallel_loop3A_212 = tpu.vector_load %arg7[%parallel_loop3A_210, %parallel_loop3A_211] {strides = array<i32>} : memref<200x64xf32, #tpu.memory_space<vmem>>, vector<1x16xf32>,
        %parallel_loop3A_213 = vector.shape_cast %parallel_loop3A_212 : vector<1x16xf32> to vector<16xf32>
        %parallel_loop3A_214 = arith.index_cast %parallel_loop3A_191 : i32 to index
        %parallel_loop3A_215 = arith.constant 32 : index
        %parallel_loop3A_216 = tpu.vector_load %arg8[%parallel_loop3A_214, %parallel_loop3A_215] {strides = array<i32>} : memref<200x64xf32, #tpu.memory_space<vmem>>, vector<1x16xf32>,
        %parallel_loop3A_217 = vector.shape_cast %parallel_loop3A_216 : vector<1x16xf32> to vector<16xf32>
        %parallel_loop3A_218 = vector.shape_cast %parallel_loop3A_213 : vector<16xf32> to vector<1x16xf32>
        tpu.vector_store %arg8[%parallel_loop3A_214, %parallel_loop3A_215], %parallel_loop3A_218 {add = true, strides = array<i32>} : memref<200x64xf32, #tpu.memory_space<vmem>>, vector<1x16xf32>,
        %parallel_loop3A_219 = arith.index_cast %parallel_loop3A_191 : i32 to index
        %parallel_loop3A_220 = arith.constant 48 : index
        %parallel_loop3A_221 = tpu.vector_load %arg7[%parallel_loop3A_219, %parallel_loop3A_220] {strides = array<i32>} : memref<200x64xf32, #tpu.memory_space<vmem>>, vector<1x16xf32>,
        %parallel_loop3A_222 = vector.shape_cast %parallel_loop3A_221 : vector<1x16xf32> to vector<16xf32>
        %parallel_loop3A_223 = arith.index_cast %parallel_loop3A_191 : i32 to index
        %parallel_loop3A_224 = arith.constant 48 : index
        %parallel_loop3A_225 = tpu.vector_load %arg8[%parallel_loop3A_223, %parallel_loop3A_224] {strides = array<i32>} : memref<200x64xf32, #tpu.memory_space<vmem>>, vector<1x16xf32>,
        %parallel_loop3A_226 = vector.shape_cast %parallel_loop3A_225 : vector<1x16xf32> to vector<16xf32>
        %parallel_loop3A_227 = vector.shape_cast %parallel_loop3A_222 : vector<16xf32> to vector<1x16xf32>
        tpu.vector_store %arg8[%parallel_loop3A_223, %parallel_loop3A_224], %parallel_loop3A_227 {add = true, strides = array<i32>} : memref<200x64xf32, #tpu.memory_space<vmem>>, vector<1x16xf32>,
      } {sc.loop_unroll_factor = 4 : i64, sc.parallel_access}
      %add3A_86 = arith.addi %mul3A_2, %add3A_69 : i32
      %dma_start3A_87 = arith.constant 0 : i32
      %dma_start3A_88 = arith.constant 0 : i32
      %dma_start3A_89 = tpu.memref_slice %arg5[%add3A_86, %dma_start3A_87, %dma_start3A_88] : memref<4096x200x64xf32, #tpu.memory_space<hbm>> -> memref<1x200x64xf32, #tpu.memory_space<hbm>>
      %dma_start3A_90 = tpu.memref_squeeze %dma_start3A_89 : memref<1x200x64xf32, #tpu.memory_space<hbm>> -> memref<200x64xf32, #tpu.memory_space<hbm>>
      %dma_start3A_91 = arith.constant 0 : i32
      %dma_start3A_92 = arith.constant 0 : i32
      %dma_start3A_93 = tpu.memref_slice %arg5[%add3A_86, %dma_start3A_91, %dma_start3A_92] : memref<4096x200x64xf32, #tpu.memory_space<hbm>> -> memref<1x200x64xf32, #tpu.memory_space<hbm>>
      %dma_start3A_94 = tpu.memref_squeeze %dma_start3A_93 : memref<1x200x64xf32, #tpu.memory_space<hbm>> -> memref<200x64xf32, #tpu.memory_space<hbm>>
      tpu.enqueue_dma source(%arg8 : memref<200x64xf32, #tpu.memory_space<vmem>>) target(%dma_start3A_94 : memref<200x64xf32, #tpu.memory_space<hbm>>) target_semaphore(%arg16 : memref<!tpu.dma_semaphore, #tpu.memory_space<semaphore_mem>>)
      %add3A_95 = arith.constant 1 : i32
      %add3A_96 = arith.addi %add3A_67, %add3A_95 : i32
      %add3A_97 = arith.constant 2 : i32
      %add3A_98 = arith.addi %add3A_96, %add3A_97 : i32
      %ge3A_99 = arith.constant 4 : i32
      %ge3A_100 = arith.cmpi sge, %add3A_98, %ge3A_99 : i32
      %convert_element_type3A_101 = arith.extui %ge3A_100 : i1 to i32
      %cond3A_102 = arith.constant 0 : i32
      %cond3A_103 = arith.cmpi ne, %convert_element_type3A_101, %cond3A_102 : i32
      scf.if %cond3A_103 {
        %dma_wait3A_191 = arith.constant 0 : i32
        %dma_wait3A_192 = arith.constant 0 : i32
        %dma_wait3A_193 = arith.constant 0 : i32
        %dma_wait3A_194 = tpu.memref_slice %arg5[%dma_wait3A_191, %dma_wait3A_192, %dma_wait3A_193] : memref<4096x200x64xf32, #tpu.memory_space<hbm>> -> memref<1x200x64xf32, #tpu.memory_space<hbm>>
        %dma_wait3A_195 = tpu.memref_squeeze %dma_wait3A_194 : memref<1x200x64xf32, #tpu.memory_space<hbm>> -> memref<200x64xf32, #tpu.memory_space<hbm>>
        %dma_wait3A_196 = arith.constant 0 : i32
        %dma_wait3A_197 = arith.constant 0 : i32
        %dma_wait3A_198 = tpu.memref_slice %arg5[%dma_wait3A_191, %dma_wait3A_196, %dma_wait3A_197] : memref<4096x200x64xf32, #tpu.memory_space<hbm>> -> memref<1x200x64xf32, #tpu.memory_space<hbm>>
        %dma_wait3A_199 = tpu.memref_squeeze %dma_wait3A_198 : memref<1x200x64xf32, #tpu.memory_space<hbm>> -> memref<200x64xf32, #tpu.memory_space<hbm>>
        tpu.wait_dma2 semaphore(%arg19 : memref<!tpu.dma_semaphore, #tpu.memory_space<semaphore_mem>>) src(%arg11 : memref<200x64xf32, #tpu.memory_space<vmem>>) dst(%dma_wait3A_199 : memref<200x64xf32, #tpu.memory_space<hbm>>)
      } else {
      }
      %lt3A_104 = arith.constant 128 : i32
      %lt3A_105 = arith.cmpi slt, %add3A_98, %lt3A_104 : i32
      %convert_element_type3A_106 = arith.extui %lt3A_105 : i1 to i32
      %cond3A_107 = arith.constant 0 : i32
      %cond3A_108 = arith.cmpi ne, %convert_element_type3A_106, %cond3A_107 : i32
      scf.if %cond3A_108 {
        %dma_start3A_191 = arith.constant 0 : i32
        %dma_start3A_192 = arith.constant 0 : i32
        %dma_start3A_193 = tpu.memref_slice %arg11[%dma_start3A_191, %dma_start3A_192] : memref<200x64xf32, #tpu.memory_space<vmem>> -> memref<96x64xf32, #tpu.memory_space<vmem>>
        %dma_start3A_194 = arith.constant 0 : i32
        %dma_start3A_195 = tpu.memref_slice %arg6[%add3A_98, %dma_start3A_194] : memref<128x200xi32, #tpu.memory_space<vmem>> -> memref<1x96xi32, #tpu.memory_space<vmem>>
        %dma_start3A_196 = tpu.memref_squeeze %dma_start3A_195 : memref<1x96xi32, #tpu.memory_space<vmem>> -> memref<96xi32, #tpu.memory_space<vmem>>
        %dma_start3A_197 = arith.constant 0 : i32
        %dma_start3A_198 = arith.constant 0 : i32
        %dma_start3A_199 = tpu.memref_slice %arg3[%dma_start3A_197, %dma_start3A_198] : memref<1000000x64xf32, #tpu.memory_space<hbm>> -> memref<1000000x64xf32, #tpu.memory_space<hbm>>
        tpu.enqueue_indirect_dma source(%dma_start3A_199 : memref<1000000x64xf32, #tpu.memory_space<hbm>>) target(%dma_start3A_193 : memref<96x64xf32, #tpu.memory_space<vmem>>) offsets(%dma_start3A_196 : memref<96xi32, #tpu.memory_space<vmem>>) semaphore(%arg15 : memref<!tpu.dma_semaphore, #tpu.memory_space<semaphore_mem>>)
        %dma_start3A_200 = arith.constant 96 : i32
        %dma_start3A_201 = arith.constant 0 : i32
        %dma_start3A_202 = tpu.memref_slice %arg11[%dma_start3A_200, %dma_start3A_201] : memref<200x64xf32, #tpu.memory_space<vmem>> -> memref<104x64xf32, #tpu.memory_space<vmem>>
        %dma_start3A_203 = arith.constant 96 : i32
        %dma_start3A_204 = tpu.memref_slice %arg6[%add3A_98, %dma_start3A_203] : memref<128x200xi32, #tpu.memory_space<vmem>> -> memref<1x104xi32, #tpu.memory_space<vmem>>
        %dma_start3A_205 = tpu.memref_squeeze %dma_start3A_204 : memref<1x104xi32, #tpu.memory_space<vmem>> -> memref<104xi32, #tpu.memory_space<vmem>>
        %dma_start3A_206 = arith.constant 0 : i32
        %dma_start3A_207 = arith.constant 0 : i32
        %dma_start3A_208 = tpu.memref_slice %arg3[%dma_start3A_206, %dma_start3A_207] : memref<1000000x64xf32, #tpu.memory_space<hbm>> -> memref<1000000x64xf32, #tpu.memory_space<hbm>>
        tpu.enqueue_indirect_dma source(%dma_start3A_208 : memref<1000000x64xf32, #tpu.memory_space<hbm>>) target(%dma_start3A_202 : memref<104x64xf32, #tpu.memory_space<vmem>>) offsets(%dma_start3A_205 : memref<104xi32, #tpu.memory_space<vmem>>) semaphore(%arg15 : memref<!tpu.dma_semaphore, #tpu.memory_space<semaphore_mem>>)
      } else {
      }
      %dma_wait3A_109 = arith.constant 0 : i32
      %dma_wait3A_110 = arith.constant 0 : i32
      %dma_wait3A_111 = tpu.memref_slice %arg3[%dma_wait3A_109, %dma_wait3A_110] : memref<1000000x64xf32, #tpu.memory_space<hbm>> -> memref<200x64xf32, #tpu.memory_space<hbm>>
      %dma_wait3A_112 = arith.constant 0 : i32
      %dma_wait3A_113 = arith.constant 0 : i32
      %dma_wait3A_114 = tpu.memref_slice %arg3[%dma_wait3A_112, %dma_wait3A_113] : memref<1000000x64xf32, #tpu.memory_space<hbm>> -> memref<200x64xf32, #tpu.memory_space<hbm>>
      tpu.wait_dma2 semaphore(%arg13 : memref<!tpu.dma_semaphore, #tpu.memory_space<semaphore_mem>>) src(%dma_wait3A_114 : memref<200x64xf32, #tpu.memory_space<hbm>>) dst(%arg9 : memref<200x64xf32, #tpu.memory_space<vmem>>)
      %parallel_loop3A_115 = arith.constant 0 : i32
      %parallel_loop3A_116 = arith.constant 200 : i32
      %parallel_loop3A_117 = arith.constant 1 : i32
      scf.for %parallel_loop3A_191 = %parallel_loop3A_115 to %parallel_loop3A_116 step %parallel_loop3A_117  : i32 {
        %parallel_loop3A_192 = arith.index_cast %parallel_loop3A_191 : i32 to index
        %parallel_loop3A_193 = arith.constant 0 : index
        %parallel_loop3A_194 = tpu.vector_load %arg7[%parallel_loop3A_192, %parallel_loop3A_193] {strides = array<i32>} : memref<200x64xf32, #tpu.memory_space<vmem>>, vector<1x16xf32>,
        %parallel_loop3A_195 = vector.shape_cast %parallel_loop3A_194 : vector<1x16xf32> to vector<16xf32>
        %parallel_loop3A_196 = arith.index_cast %parallel_loop3A_191 : i32 to index
        %parallel_loop3A_197 = arith.constant 0 : index
        %parallel_loop3A_198 = tpu.vector_load %arg9[%parallel_loop3A_196, %parallel_loop3A_197] {strides = array<i32>} : memref<200x64xf32, #tpu.memory_space<vmem>>, vector<1x16xf32>,
        %parallel_loop3A_199 = vector.shape_cast %parallel_loop3A_198 : vector<1x16xf32> to vector<16xf32>
        %parallel_loop3A_200 = vector.shape_cast %parallel_loop3A_195 : vector<16xf32> to vector<1x16xf32>
        tpu.vector_store %arg9[%parallel_loop3A_196, %parallel_loop3A_197], %parallel_loop3A_200 {add = true, strides = array<i32>} : memref<200x64xf32, #tpu.memory_space<vmem>>, vector<1x16xf32>,
        %parallel_loop3A_201 = arith.index_cast %parallel_loop3A_191 : i32 to index
        %parallel_loop3A_202 = arith.constant 16 : index
        %parallel_loop3A_203 = tpu.vector_load %arg7[%parallel_loop3A_201, %parallel_loop3A_202] {strides = array<i32>} : memref<200x64xf32, #tpu.memory_space<vmem>>, vector<1x16xf32>,
        %parallel_loop3A_204 = vector.shape_cast %parallel_loop3A_203 : vector<1x16xf32> to vector<16xf32>
        %parallel_loop3A_205 = arith.index_cast %parallel_loop3A_191 : i32 to index
        %parallel_loop3A_206 = arith.constant 16 : index
        %parallel_loop3A_207 = tpu.vector_load %arg9[%parallel_loop3A_205, %parallel_loop3A_206] {strides = array<i32>} : memref<200x64xf32, #tpu.memory_space<vmem>>, vector<1x16xf32>,
        %parallel_loop3A_208 = vector.shape_cast %parallel_loop3A_207 : vector<1x16xf32> to vector<16xf32>
        %parallel_loop3A_209 = vector.shape_cast %parallel_loop3A_204 : vector<16xf32> to vector<1x16xf32>
        tpu.vector_store %arg9[%parallel_loop3A_205, %parallel_loop3A_206], %parallel_loop3A_209 {add = true, strides = array<i32>} : memref<200x64xf32, #tpu.memory_space<vmem>>, vector<1x16xf32>,
        %parallel_loop3A_210 = arith.index_cast %parallel_loop3A_191 : i32 to index
        %parallel_loop3A_211 = arith.constant 32 : index
        %parallel_loop3A_212 = tpu.vector_load %arg7[%parallel_loop3A_210, %parallel_loop3A_211] {strides = array<i32>} : memref<200x64xf32, #tpu.memory_space<vmem>>, vector<1x16xf32>,
        %parallel_loop3A_213 = vector.shape_cast %parallel_loop3A_212 : vector<1x16xf32> to vector<16xf32>
        %parallel_loop3A_214 = arith.index_cast %parallel_loop3A_191 : i32 to index
        %parallel_loop3A_215 = arith.constant 32 : index
        %parallel_loop3A_216 = tpu.vector_load %arg9[%parallel_loop3A_214, %parallel_loop3A_215] {strides = array<i32>} : memref<200x64xf32, #tpu.memory_space<vmem>>, vector<1x16xf32>,
        %parallel_loop3A_217 = vector.shape_cast %parallel_loop3A_216 : vector<1x16xf32> to vector<16xf32>
        %parallel_loop3A_218 = vector.shape_cast %parallel_loop3A_213 : vector<16xf32> to vector<1x16xf32>
        tpu.vector_store %arg9[%parallel_loop3A_214, %parallel_loop3A_215], %parallel_loop3A_218 {add = true, strides = array<i32>} : memref<200x64xf32, #tpu.memory_space<vmem>>, vector<1x16xf32>,
        %parallel_loop3A_219 = arith.index_cast %parallel_loop3A_191 : i32 to index
        %parallel_loop3A_220 = arith.constant 48 : index
        %parallel_loop3A_221 = tpu.vector_load %arg7[%parallel_loop3A_219, %parallel_loop3A_220] {strides = array<i32>} : memref<200x64xf32, #tpu.memory_space<vmem>>, vector<1x16xf32>,
        %parallel_loop3A_222 = vector.shape_cast %parallel_loop3A_221 : vector<1x16xf32> to vector<16xf32>
        %parallel_loop3A_223 = arith.index_cast %parallel_loop3A_191 : i32 to index
        %parallel_loop3A_224 = arith.constant 48 : index
        %parallel_loop3A_225 = tpu.vector_load %arg9[%parallel_loop3A_223, %parallel_loop3A_224] {strides = array<i32>} : memref<200x64xf32, #tpu.memory_space<vmem>>, vector<1x16xf32>,
        %parallel_loop3A_226 = vector.shape_cast %parallel_loop3A_225 : vector<1x16xf32> to vector<16xf32>
        %parallel_loop3A_227 = vector.shape_cast %parallel_loop3A_222 : vector<16xf32> to vector<1x16xf32>
        tpu.vector_store %arg9[%parallel_loop3A_223, %parallel_loop3A_224], %parallel_loop3A_227 {add = true, strides = array<i32>} : memref<200x64xf32, #tpu.memory_space<vmem>>, vector<1x16xf32>,
      } {sc.loop_unroll_factor = 4 : i64, sc.parallel_access}
      %add3A_118 = arith.addi %mul3A_2, %add3A_96 : i32
      %dma_start3A_119 = arith.constant 0 : i32
      %dma_start3A_120 = arith.constant 0 : i32
      %dma_start3A_121 = tpu.memref_slice %arg5[%add3A_118, %dma_start3A_119, %dma_start3A_120] : memref<4096x200x64xf32, #tpu.memory_space<hbm>> -> memref<1x200x64xf32, #tpu.memory_space<hbm>>
      %dma_start3A_122 = tpu.memref_squeeze %dma_start3A_121 : memref<1x200x64xf32, #tpu.memory_space<hbm>> -> memref<200x64xf32, #tpu.memory_space<hbm>>
      %dma_start3A_123 = arith.constant 0 : i32
      %dma_start3A_124 = arith.constant 0 : i32
      %dma_start3A_125 = tpu.memref_slice %arg5[%add3A_118, %dma_start3A_123, %dma_start3A_124] : memref<4096x200x64xf32, #tpu.memory_space<hbm>> -> memref<1x200x64xf32, #tpu.memory_space<hbm>>
      %dma_start3A_126 = tpu.memref_squeeze %dma_start3A_125 : memref<1x200x64xf32, #tpu.memory_space<hbm>> -> memref<200x64xf32, #tpu.memory_space<hbm>>
      tpu.enqueue_dma source(%arg9 : memref<200x64xf32, #tpu.memory_space<vmem>>) target(%dma_start3A_126 : memref<200x64xf32, #tpu.memory_space<hbm>>) target_semaphore(%arg17 : memref<!tpu.dma_semaphore, #tpu.memory_space<semaphore_mem>>)
      %add3A_127 = arith.constant 2 : i32
      %add3A_128 = arith.addi %add3A_67, %add3A_127 : i32
      %add3A_129 = arith.constant 2 : i32
      %add3A_130 = arith.addi %add3A_128, %add3A_129 : i32
      %ge3A_131 = arith.constant 4 : i32
      %ge3A_132 = arith.cmpi sge, %add3A_130, %ge3A_131 : i32
      %convert_element_type3A_133 = arith.extui %ge3A_132 : i1 to i32
      %cond3A_134 = arith.constant 0 : i32
      %cond3A_135 = arith.cmpi ne, %convert_element_type3A_133, %cond3A_134 : i32
      scf.if %cond3A_135 {
        %dma_wait3A_191 = arith.constant 0 : i32
        %dma_wait3A_192 = arith.constant 0 : i32
        %dma_wait3A_193 = arith.constant 0 : i32
        %dma_wait3A_194 = tpu.memref_slice %arg5[%dma_wait3A_191, %dma_wait3A_192, %dma_wait3A_193] : memref<4096x200x64xf32, #tpu.memory_space<hbm>> -> memref<1x200x64xf32, #tpu.memory_space<hbm>>
        %dma_wait3A_195 = tpu.memref_squeeze %dma_wait3A_194 : memref<1x200x64xf32, #tpu.memory_space<hbm>> -> memref<200x64xf32, #tpu.memory_space<hbm>>
        %dma_wait3A_196 = arith.constant 0 : i32
        %dma_wait3A_197 = arith.constant 0 : i32
        %dma_wait3A_198 = tpu.memref_slice %arg5[%dma_wait3A_191, %dma_wait3A_196, %dma_wait3A_197] : memref<4096x200x64xf32, #tpu.memory_space<hbm>> -> memref<1x200x64xf32, #tpu.memory_space<hbm>>
        %dma_wait3A_199 = tpu.memref_squeeze %dma_wait3A_198 : memref<1x200x64xf32, #tpu.memory_space<hbm>> -> memref<200x64xf32, #tpu.memory_space<hbm>>
        tpu.wait_dma2 semaphore(%arg16 : memref<!tpu.dma_semaphore, #tpu.memory_space<semaphore_mem>>) src(%arg8 : memref<200x64xf32, #tpu.memory_space<vmem>>) dst(%dma_wait3A_199 : memref<200x64xf32, #tpu.memory_space<hbm>>)
      } else {
      }
      %lt3A_136 = arith.constant 128 : i32
      %lt3A_137 = arith.cmpi slt, %add3A_130, %lt3A_136 : i32
      %convert_element_type3A_138 = arith.extui %lt3A_137 : i1 to i32
      %cond3A_139 = arith.constant 0 : i32
      %cond3A_140 = arith.cmpi ne, %convert_element_type3A_138, %cond3A_139 : i32
      scf.if %cond3A_140 {
        %dma_start3A_191 = arith.constant 0 : i32
        %dma_start3A_192 = arith.constant 0 : i32
        %dma_start3A_193 = tpu.memref_slice %arg8[%dma_start3A_191, %dma_start3A_192] : memref<200x64xf32, #tpu.memory_space<vmem>> -> memref<96x64xf32, #tpu.memory_space<vmem>>
        %dma_start3A_194 = arith.constant 0 : i32
        %dma_start3A_195 = tpu.memref_slice %arg6[%add3A_130, %dma_start3A_194] : memref<128x200xi32, #tpu.memory_space<vmem>> -> memref<1x96xi32, #tpu.memory_space<vmem>>
        %dma_start3A_196 = tpu.memref_squeeze %dma_start3A_195 : memref<1x96xi32, #tpu.memory_space<vmem>> -> memref<96xi32, #tpu.memory_space<vmem>>
        %dma_start3A_197 = arith.constant 0 : i32
        %dma_start3A_198 = arith.constant 0 : i32
        %dma_start3A_199 = tpu.memref_slice %arg3[%dma_start3A_197, %dma_start3A_198] : memref<1000000x64xf32, #tpu.memory_space<hbm>> -> memref<1000000x64xf32, #tpu.memory_space<hbm>>
        tpu.enqueue_indirect_dma source(%dma_start3A_199 : memref<1000000x64xf32, #tpu.memory_space<hbm>>) target(%dma_start3A_193 : memref<96x64xf32, #tpu.memory_space<vmem>>) offsets(%dma_start3A_196 : memref<96xi32, #tpu.memory_space<vmem>>) semaphore(%arg12 : memref<!tpu.dma_semaphore, #tpu.memory_space<semaphore_mem>>)
        %dma_start3A_200 = arith.constant 96 : i32
        %dma_start3A_201 = arith.constant 0 : i32
        %dma_start3A_202 = tpu.memref_slice %arg8[%dma_start3A_200, %dma_start3A_201] : memref<200x64xf32, #tpu.memory_space<vmem>> -> memref<104x64xf32, #tpu.memory_space<vmem>>
        %dma_start3A_203 = arith.constant 96 : i32
        %dma_start3A_204 = tpu.memref_slice %arg6[%add3A_130, %dma_start3A_203] : memref<128x200xi32, #tpu.memory_space<vmem>> -> memref<1x104xi32, #tpu.memory_space<vmem>>
        %dma_start3A_205 = tpu.memref_squeeze %dma_start3A_204 : memref<1x104xi32, #tpu.memory_space<vmem>> -> memref<104xi32, #tpu.memory_space<vmem>>
        %dma_start3A_206 = arith.constant 0 : i32
        %dma_start3A_207 = arith.constant 0 : i32
        %dma_start3A_208 = tpu.memref_slice %arg3[%dma_start3A_206, %dma_start3A_207] : memref<1000000x64xf32, #tpu.memory_space<hbm>> -> memref<1000000x64xf32, #tpu.memory_space<hbm>>
        tpu.enqueue_indirect_dma source(%dma_start3A_208 : memref<1000000x64xf32, #tpu.memory_space<hbm>>) target(%dma_start3A_202 : memref<104x64xf32, #tpu.memory_space<vmem>>) offsets(%dma_start3A_205 : memref<104xi32, #tpu.memory_space<vmem>>) semaphore(%arg12 : memref<!tpu.dma_semaphore, #tpu.memory_space<semaphore_mem>>)
      } else {
      }
      %dma_wait3A_141 = arith.constant 0 : i32
      %dma_wait3A_142 = arith.constant 0 : i32
      %dma_wait3A_143 = tpu.memref_slice %arg3[%dma_wait3A_141, %dma_wait3A_142] : memref<1000000x64xf32, #tpu.memory_space<hbm>> -> memref<200x64xf32, #tpu.memory_space<hbm>>
      %dma_wait3A_144 = arith.constant 0 : i32
      %dma_wait3A_145 = arith.constant 0 : i32
      %dma_wait3A_146 = tpu.memref_slice %arg3[%dma_wait3A_144, %dma_wait3A_145] : memref<1000000x64xf32, #tpu.memory_space<hbm>> -> memref<200x64xf32, #tpu.memory_space<hbm>>
      tpu.wait_dma2 semaphore(%arg14 : memref<!tpu.dma_semaphore, #tpu.memory_space<semaphore_mem>>) src(%dma_wait3A_146 : memref<200x64xf32, #tpu.memory_space<hbm>>) dst(%arg10 : memref<200x64xf32, #tpu.memory_space<vmem>>)
      %parallel_loop3A_147 = arith.constant 0 : i32
      %parallel_loop3A_148 = arith.constant 200 : i32
      %parallel_loop3A_149 = arith.constant 1 : i32
      scf.for %parallel_loop3A_191 = %parallel_loop3A_147 to %parallel_loop3A_148 step %parallel_loop3A_149  : i32 {
        %parallel_loop3A_192 = arith.index_cast %parallel_loop3A_191 : i32 to index
        %parallel_loop3A_193 = arith.constant 0 : index
        %parallel_loop3A_194 = tpu.vector_load %arg7[%parallel_loop3A_192, %parallel_loop3A_193] {strides = array<i32>} : memref<200x64xf32, #tpu.memory_space<vmem>>, vector<1x16xf32>,
        %parallel_loop3A_195 = vector.shape_cast %parallel_loop3A_194 : vector<1x16xf32> to vector<16xf32>
        %parallel_loop3A_196 = arith.index_cast %parallel_loop3A_191 : i32 to index
        %parallel_loop3A_197 = arith.constant 0 : index
        %parallel_loop3A_198 = tpu.vector_load %arg10[%parallel_loop3A_196, %parallel_loop3A_197] {strides = array<i32>} : memref<200x64xf32, #tpu.memory_space<vmem>>, vector<1x16xf32>,
        %parallel_loop3A_199 = vector.shape_cast %parallel_loop3A_198 : vector<1x16xf32> to vector<16xf32>
        %parallel_loop3A_200 = vector.shape_cast %parallel_loop3A_195 : vector<16xf32> to vector<1x16xf32>
        tpu.vector_store %arg10[%parallel_loop3A_196, %parallel_loop3A_197], %parallel_loop3A_200 {add = true, strides = array<i32>} : memref<200x64xf32, #tpu.memory_space<vmem>>, vector<1x16xf32>,
        %parallel_loop3A_201 = arith.index_cast %parallel_loop3A_191 : i32 to index
        %parallel_loop3A_202 = arith.constant 16 : index
        %parallel_loop3A_203 = tpu.vector_load %arg7[%parallel_loop3A_201, %parallel_loop3A_202] {strides = array<i32>} : memref<200x64xf32, #tpu.memory_space<vmem>>, vector<1x16xf32>,
        %parallel_loop3A_204 = vector.shape_cast %parallel_loop3A_203 : vector<1x16xf32> to vector<16xf32>
        %parallel_loop3A_205 = arith.index_cast %parallel_loop3A_191 : i32 to index
        %parallel_loop3A_206 = arith.constant 16 : index
        %parallel_loop3A_207 = tpu.vector_load %arg10[%parallel_loop3A_205, %parallel_loop3A_206] {strides = array<i32>} : memref<200x64xf32, #tpu.memory_space<vmem>>, vector<1x16xf32>,
        %parallel_loop3A_208 = vector.shape_cast %parallel_loop3A_207 : vector<1x16xf32> to vector<16xf32>
        %parallel_loop3A_209 = vector.shape_cast %parallel_loop3A_204 : vector<16xf32> to vector<1x16xf32>
        tpu.vector_store %arg10[%parallel_loop3A_205, %parallel_loop3A_206], %parallel_loop3A_209 {add = true, strides = array<i32>} : memref<200x64xf32, #tpu.memory_space<vmem>>, vector<1x16xf32>,
        %parallel_loop3A_210 = arith.index_cast %parallel_loop3A_191 : i32 to index
        %parallel_loop3A_211 = arith.constant 32 : index
        %parallel_loop3A_212 = tpu.vector_load %arg7[%parallel_loop3A_210, %parallel_loop3A_211] {strides = array<i32>} : memref<200x64xf32, #tpu.memory_space<vmem>>, vector<1x16xf32>,
        %parallel_loop3A_213 = vector.shape_cast %parallel_loop3A_212 : vector<1x16xf32> to vector<16xf32>
        %parallel_loop3A_214 = arith.index_cast %parallel_loop3A_191 : i32 to index
        %parallel_loop3A_215 = arith.constant 32 : index
        %parallel_loop3A_216 = tpu.vector_load %arg10[%parallel_loop3A_214, %parallel_loop3A_215] {strides = array<i32>} : memref<200x64xf32, #tpu.memory_space<vmem>>, vector<1x16xf32>,
        %parallel_loop3A_217 = vector.shape_cast %parallel_loop3A_216 : vector<1x16xf32> to vector<16xf32>
        %parallel_loop3A_218 = vector.shape_cast %parallel_loop3A_213 : vector<16xf32> to vector<1x16xf32>
        tpu.vector_store %arg10[%parallel_loop3A_214, %parallel_loop3A_215], %parallel_loop3A_218 {add = true, strides = array<i32>} : memref<200x64xf32, #tpu.memory_space<vmem>>, vector<1x16xf32>,
        %parallel_loop3A_219 = arith.index_cast %parallel_loop3A_191 : i32 to index
        %parallel_loop3A_220 = arith.constant 48 : index
        %parallel_loop3A_221 = tpu.vector_load %arg7[%parallel_loop3A_219, %parallel_loop3A_220] {strides = array<i32>} : memref<200x64xf32, #tpu.memory_space<vmem>>, vector<1x16xf32>,
        %parallel_loop3A_222 = vector.shape_cast %parallel_loop3A_221 : vector<1x16xf32> to vector<16xf32>
        %parallel_loop3A_223 = arith.index_cast %parallel_loop3A_191 : i32 to index
        %parallel_loop3A_224 = arith.constant 48 : index
        %parallel_loop3A_225 = tpu.vector_load %arg10[%parallel_loop3A_223, %parallel_loop3A_224] {strides = array<i32>} : memref<200x64xf32, #tpu.memory_space<vmem>>, vector<1x16xf32>,
        %parallel_loop3A_226 = vector.shape_cast %parallel_loop3A_225 : vector<1x16xf32> to vector<16xf32>
        %parallel_loop3A_227 = vector.shape_cast %parallel_loop3A_222 : vector<16xf32> to vector<1x16xf32>
        tpu.vector_store %arg10[%parallel_loop3A_223, %parallel_loop3A_224], %parallel_loop3A_227 {add = true, strides = array<i32>} : memref<200x64xf32, #tpu.memory_space<vmem>>, vector<1x16xf32>,
      } {sc.loop_unroll_factor = 4 : i64, sc.parallel_access}
      %add3A_150 = arith.addi %mul3A_2, %add3A_128 : i32
      %dma_start3A_151 = arith.constant 0 : i32
      %dma_start3A_152 = arith.constant 0 : i32
      %dma_start3A_153 = tpu.memref_slice %arg5[%add3A_150, %dma_start3A_151, %dma_start3A_152] : memref<4096x200x64xf32, #tpu.memory_space<hbm>> -> memref<1x200x64xf32, #tpu.memory_space<hbm>>
      %dma_start3A_154 = tpu.memref_squeeze %dma_start3A_153 : memref<1x200x64xf32, #tpu.memory_space<hbm>> -> memref<200x64xf32, #tpu.memory_space<hbm>>
      %dma_start3A_155 = arith.constant 0 : i32
      %dma_start3A_156 = arith.constant 0 : i32
      %dma_start3A_157 = tpu.memref_slice %arg5[%add3A_150, %dma_start3A_155, %dma_start3A_156] : memref<4096x200x64xf32, #tpu.memory_space<hbm>> -> memref<1x200x64xf32, #tpu.memory_space<hbm>>
      %dma_start3A_158 = tpu.memref_squeeze %dma_start3A_157 : memref<1x200x64xf32, #tpu.memory_space<hbm>> -> memref<200x64xf32, #tpu.memory_space<hbm>>
      tpu.enqueue_dma source(%arg10 : memref<200x64xf32, #tpu.memory_space<vmem>>) target(%dma_start3A_158 : memref<200x64xf32, #tpu.memory_space<hbm>>) target_semaphore(%arg18 : memref<!tpu.dma_semaphore, #tpu.memory_space<semaphore_mem>>)
      %add3A_159 = arith.constant 3 : i32
      %add3A_160 = arith.addi %add3A_67, %add3A_159 : i32
      %add3A_161 = arith.constant 2 : i32
      %add3A_162 = arith.addi %add3A_160, %add3A_161 : i32
      %ge3A_163 = arith.constant 4 : i32
      %ge3A_164 = arith.cmpi sge, %add3A_162, %ge3A_163 : i32
      %convert_element_type3A_165 = arith.extui %ge3A_164 : i1 to i32
      %cond3A_166 = arith.constant 0 : i32
      %cond3A_167 = arith.cmpi ne, %convert_element_type3A_165, %cond3A_166 : i32
      scf.if %cond3A_167 {
        %dma_wait3A_191 = arith.constant 0 : i32
        %dma_wait3A_192 = arith.constant 0 : i32
        %dma_wait3A_193 = arith.constant 0 : i32
        %dma_wait3A_194 = tpu.memref_slice %arg5[%dma_wait3A_191, %dma_wait3A_192, %dma_wait3A_193] : memref<4096x200x64xf32, #tpu.memory_space<hbm>> -> memref<1x200x64xf32, #tpu.memory_space<hbm>>
        %dma_wait3A_195 = tpu.memref_squeeze %dma_wait3A_194 : memref<1x200x64xf32, #tpu.memory_space<hbm>> -> memref<200x64xf32, #tpu.memory_space<hbm>>
        %dma_wait3A_196 = arith.constant 0 : i32
        %dma_wait3A_197 = arith.constant 0 : i32
        %dma_wait3A_198 = tpu.memref_slice %arg5[%dma_wait3A_191, %dma_wait3A_196, %dma_wait3A_197] : memref<4096x200x64xf32, #tpu.memory_space<hbm>> -> memref<1x200x64xf32, #tpu.memory_space<hbm>>
        %dma_wait3A_199 = tpu.memref_squeeze %dma_wait3A_198 : memref<1x200x64xf32, #tpu.memory_space<hbm>> -> memref<200x64xf32, #tpu.memory_space<hbm>>
        tpu.wait_dma2 semaphore(%arg17 : memref<!tpu.dma_semaphore, #tpu.memory_space<semaphore_mem>>) src(%arg9 : memref<200x64xf32, #tpu.memory_space<vmem>>) dst(%dma_wait3A_199 : memref<200x64xf32, #tpu.memory_space<hbm>>)
      } else {
      }
      %lt3A_168 = arith.constant 128 : i32
      %lt3A_169 = arith.cmpi slt, %add3A_162, %lt3A_168 : i32
      %convert_element_type3A_170 = arith.extui %lt3A_169 : i1 to i32
      %cond3A_171 = arith.constant 0 : i32
      %cond3A_172 = arith.cmpi ne, %convert_element_type3A_170, %cond3A_171 : i32
      scf.if %cond3A_172 {
        %dma_start3A_191 = arith.constant 0 : i32
        %dma_start3A_192 = arith.constant 0 : i32
        %dma_start3A_193 = tpu.memref_slice %arg9[%dma_start3A_191, %dma_start3A_192] : memref<200x64xf32, #tpu.memory_space<vmem>> -> memref<96x64xf32, #tpu.memory_space<vmem>>
        %dma_start3A_194 = arith.constant 0 : i32
        %dma_start3A_195 = tpu.memref_slice %arg6[%add3A_162, %dma_start3A_194] : memref<128x200xi32, #tpu.memory_space<vmem>> -> memref<1x96xi32, #tpu.memory_space<vmem>>
        %dma_start3A_196 = tpu.memref_squeeze %dma_start3A_195 : memref<1x96xi32, #tpu.memory_space<vmem>> -> memref<96xi32, #tpu.memory_space<vmem>>
        %dma_start3A_197 = arith.constant 0 : i32
        %dma_start3A_198 = arith.constant 0 : i32
        %dma_start3A_199 = tpu.memref_slice %arg3[%dma_start3A_197, %dma_start3A_198] : memref<1000000x64xf32, #tpu.memory_space<hbm>> -> memref<1000000x64xf32, #tpu.memory_space<hbm>>
        tpu.enqueue_indirect_dma source(%dma_start3A_199 : memref<1000000x64xf32, #tpu.memory_space<hbm>>) target(%dma_start3A_193 : memref<96x64xf32, #tpu.memory_space<vmem>>) offsets(%dma_start3A_196 : memref<96xi32, #tpu.memory_space<vmem>>) semaphore(%arg13 : memref<!tpu.dma_semaphore, #tpu.memory_space<semaphore_mem>>)
        %dma_start3A_200 = arith.constant 96 : i32
        %dma_start3A_201 = arith.constant 0 : i32
        %dma_start3A_202 = tpu.memref_slice %arg9[%dma_start3A_200, %dma_start3A_201] : memref<200x64xf32, #tpu.memory_space<vmem>> -> memref<104x64xf32, #tpu.memory_space<vmem>>
        %dma_start3A_203 = arith.constant 96 : i32
        %dma_start3A_204 = tpu.memref_slice %arg6[%add3A_162, %dma_start3A_203] : memref<128x200xi32, #tpu.memory_space<vmem>> -> memref<1x104xi32, #tpu.memory_space<vmem>>
        %dma_start3A_205 = tpu.memref_squeeze %dma_start3A_204 : memref<1x104xi32, #tpu.memory_space<vmem>> -> memref<104xi32, #tpu.memory_space<vmem>>
        %dma_start3A_206 = arith.constant 0 : i32
        %dma_start3A_207 = arith.constant 0 : i32
        %dma_start3A_208 = tpu.memref_slice %arg3[%dma_start3A_206, %dma_start3A_207] : memref<1000000x64xf32, #tpu.memory_space<hbm>> -> memref<1000000x64xf32, #tpu.memory_space<hbm>>
        tpu.enqueue_indirect_dma source(%dma_start3A_208 : memref<1000000x64xf32, #tpu.memory_space<hbm>>) target(%dma_start3A_202 : memref<104x64xf32, #tpu.memory_space<vmem>>) offsets(%dma_start3A_205 : memref<104xi32, #tpu.memory_space<vmem>>) semaphore(%arg13 : memref<!tpu.dma_semaphore, #tpu.memory_space<semaphore_mem>>)
      } else {
      }
      %dma_wait3A_173 = arith.constant 0 : i32
      %dma_wait3A_174 = arith.constant 0 : i32
      %dma_wait3A_175 = tpu.memref_slice %arg3[%dma_wait3A_173, %dma_wait3A_174] : memref<1000000x64xf32, #tpu.memory_space<hbm>> -> memref<200x64xf32, #tpu.memory_space<hbm>>
      %dma_wait3A_176 = arith.constant 0 : i32
      %dma_wait3A_177 = arith.constant 0 : i32
      %dma_wait3A_178 = tpu.memref_slice %arg3[%dma_wait3A_176, %dma_wait3A_177] : memref<1000000x64xf32, #tpu.memory_space<hbm>> -> memref<200x64xf32, #tpu.memory_space<hbm>>
      tpu.wait_dma2 semaphore(%arg15 : memref<!tpu.dma_semaphore, #tpu.memory_space<semaphore_mem>>) src(%dma_wait3A_178 : memref<200x64xf32, #tpu.memory_space<hbm>>) dst(%arg11 : memref<200x64xf32, #tpu.memory_space<vmem>>)
      %parallel_loop3A_179 = arith.constant 0 : i32
      %parallel_loop3A_180 = arith.constant 200 : i32
      %parallel_loop3A_181 = arith.constant 1 : i32
      scf.for %parallel_loop3A_191 = %parallel_loop3A_179 to %parallel_loop3A_180 step %parallel_loop3A_181  : i32 {
        %parallel_loop3A_192 = arith.index_cast %parallel_loop3A_191 : i32 to index
        %parallel_loop3A_193 = arith.constant 0 : index
        %parallel_loop3A_194 = tpu.vector_load %arg7[%parallel_loop3A_192, %parallel_loop3A_193] {strides = array<i32>} : memref<200x64xf32, #tpu.memory_space<vmem>>, vector<1x16xf32>,
        %parallel_loop3A_195 = vector.shape_cast %parallel_loop3A_194 : vector<1x16xf32> to vector<16xf32>
        %parallel_loop3A_196 = arith.index_cast %parallel_loop3A_191 : i32 to index
        %parallel_loop3A_197 = arith.constant 0 : index
        %parallel_loop3A_198 = tpu.vector_load %arg11[%parallel_loop3A_196, %parallel_loop3A_197] {strides = array<i32>} : memref<200x64xf32, #tpu.memory_space<vmem>>, vector<1x16xf32>,
        %parallel_loop3A_199 = vector.shape_cast %parallel_loop3A_198 : vector<1x16xf32> to vector<16xf32>
        %parallel_loop3A_200 = vector.shape_cast %parallel_loop3A_195 : vector<16xf32> to vector<1x16xf32>
        tpu.vector_store %arg11[%parallel_loop3A_196, %parallel_loop3A_197], %parallel_loop3A_200 {add = true, strides = array<i32>} : memref<200x64xf32, #tpu.memory_space<vmem>>, vector<1x16xf32>,
        %parallel_loop3A_201 = arith.index_cast %parallel_loop3A_191 : i32 to index
        %parallel_loop3A_202 = arith.constant 16 : index
        %parallel_loop3A_203 = tpu.vector_load %arg7[%parallel_loop3A_201, %parallel_loop3A_202] {strides = array<i32>} : memref<200x64xf32, #tpu.memory_space<vmem>>, vector<1x16xf32>,
        %parallel_loop3A_204 = vector.shape_cast %parallel_loop3A_203 : vector<1x16xf32> to vector<16xf32>
        %parallel_loop3A_205 = arith.index_cast %parallel_loop3A_191 : i32 to index
        %parallel_loop3A_206 = arith.constant 16 : index
        %parallel_loop3A_207 = tpu.vector_load %arg11[%parallel_loop3A_205, %parallel_loop3A_206] {strides = array<i32>} : memref<200x64xf32, #tpu.memory_space<vmem>>, vector<1x16xf32>,
        %parallel_loop3A_208 = vector.shape_cast %parallel_loop3A_207 : vector<1x16xf32> to vector<16xf32>
        %parallel_loop3A_209 = vector.shape_cast %parallel_loop3A_204 : vector<16xf32> to vector<1x16xf32>
        tpu.vector_store %arg11[%parallel_loop3A_205, %parallel_loop3A_206], %parallel_loop3A_209 {add = true, strides = array<i32>} : memref<200x64xf32, #tpu.memory_space<vmem>>, vector<1x16xf32>,
        %parallel_loop3A_210 = arith.index_cast %parallel_loop3A_191 : i32 to index
        %parallel_loop3A_211 = arith.constant 32 : index
        %parallel_loop3A_212 = tpu.vector_load %arg7[%parallel_loop3A_210, %parallel_loop3A_211] {strides = array<i32>} : memref<200x64xf32, #tpu.memory_space<vmem>>, vector<1x16xf32>,
        %parallel_loop3A_213 = vector.shape_cast %parallel_loop3A_212 : vector<1x16xf32> to vector<16xf32>
        %parallel_loop3A_214 = arith.index_cast %parallel_loop3A_191 : i32 to index
        %parallel_loop3A_215 = arith.constant 32 : index
        %parallel_loop3A_216 = tpu.vector_load %arg11[%parallel_loop3A_214, %parallel_loop3A_215] {strides = array<i32>} : memref<200x64xf32, #tpu.memory_space<vmem>>, vector<1x16xf32>,
        %parallel_loop3A_217 = vector.shape_cast %parallel_loop3A_216 : vector<1x16xf32> to vector<16xf32>
        %parallel_loop3A_218 = vector.shape_cast %parallel_loop3A_213 : vector<16xf32> to vector<1x16xf32>
        tpu.vector_store %arg11[%parallel_loop3A_214, %parallel_loop3A_215], %parallel_loop3A_218 {add = true, strides = array<i32>} : memref<200x64xf32, #tpu.memory_space<vmem>>, vector<1x16xf32>,
        %parallel_loop3A_219 = arith.index_cast %parallel_loop3A_191 : i32 to index
        %parallel_loop3A_220 = arith.constant 48 : index
        %parallel_loop3A_221 = tpu.vector_load %arg7[%parallel_loop3A_219, %parallel_loop3A_220] {strides = array<i32>} : memref<200x64xf32, #tpu.memory_space<vmem>>, vector<1x16xf32>,
        %parallel_loop3A_222 = vector.shape_cast %parallel_loop3A_221 : vector<1x16xf32> to vector<16xf32>
        %parallel_loop3A_223 = arith.index_cast %parallel_loop3A_191 : i32 to index
        %parallel_loop3A_224 = arith.constant 48 : index
        %parallel_loop3A_225 = tpu.vector_load %arg11[%parallel_loop3A_223, %parallel_loop3A_224] {strides = array<i32>} : memref<200x64xf32, #tpu.memory_space<vmem>>, vector<1x16xf32>,
        %parallel_loop3A_226 = vector.shape_cast %parallel_loop3A_225 : vector<1x16xf32> to vector<16xf32>
        %parallel_loop3A_227 = vector.shape_cast %parallel_loop3A_222 : vector<16xf32> to vector<1x16xf32>
        tpu.vector_store %arg11[%parallel_loop3A_223, %parallel_loop3A_224], %parallel_loop3A_227 {add = true, strides = array<i32>} : memref<200x64xf32, #tpu.memory_space<vmem>>, vector<1x16xf32>,
      } {sc.loop_unroll_factor = 4 : i64, sc.parallel_access}
      %add3A_182 = arith.addi %mul3A_2, %add3A_160 : i32
      %dma_start3A_183 = arith.constant 0 : i32
      %dma_start3A_184 = arith.constant 0 : i32
      %dma_start3A_185 = tpu.memref_slice %arg5[%add3A_182, %dma_start3A_183, %dma_start3A_184] : memref<4096x200x64xf32, #tpu.memory_space<hbm>> -> memref<1x200x64xf32, #tpu.memory_space<hbm>>
      %dma_start3A_186 = tpu.memref_squeeze %dma_start3A_185 : memref<1x200x64xf32, #tpu.memory_space<hbm>> -> memref<200x64xf32, #tpu.memory_space<hbm>>
      %dma_start3A_187 = arith.constant 0 : i32
      %dma_start3A_188 = arith.constant 0 : i32
      %dma_start3A_189 = tpu.memref_slice %arg5[%add3A_182, %dma_start3A_187, %dma_start3A_188] : memref<4096x200x64xf32, #tpu.memory_space<hbm>> -> memref<1x200x64xf32, #tpu.memory_space<hbm>>
      %dma_start3A_190 = tpu.memref_squeeze %dma_start3A_189 : memref<1x200x64xf32, #tpu.memory_space<hbm>> -> memref<200x64xf32, #tpu.memory_space<hbm>>
      tpu.enqueue_dma source(%arg11 : memref<200x64xf32, #tpu.memory_space<vmem>>) target(%dma_start3A_190 : memref<200x64xf32, #tpu.memory_space<hbm>>) target_semaphore(%arg19 : memref<!tpu.dma_semaphore, #tpu.memory_space<semaphore_mem>>)
    }
    %scan3A_45 = arith.constant 32 : i32
    %dma_wait3A = arith.constant 0 : i32
    %dma_wait3A_46 = arith.constant 0 : i32
    %dma_wait3A_47 = arith.constant 0 : i32
    %dma_wait3A_48 = tpu.memref_slice %arg5[%dma_wait3A, %dma_wait3A_46, %dma_wait3A_47] : memref<4096x200x64xf32, #tpu.memory_space<hbm>> -> memref<1x200x64xf32, #tpu.memory_space<hbm>>
    %dma_wait3A_49 = tpu.memref_squeeze %dma_wait3A_48 : memref<1x200x64xf32, #tpu.memory_space<hbm>> -> memref<200x64xf32, #tpu.memory_space<hbm>>
    %dma_wait3A_50 = arith.constant 0 : i32
    %dma_wait3A_51 = arith.constant 0 : i32
    %dma_wait3A_52 = tpu.memref_slice %arg5[%dma_wait3A, %dma_wait3A_50, %dma_wait3A_51] : memref<4096x200x64xf32, #tpu.memory_space<hbm>> -> memref<1x200x64xf32, #tpu.memory_space<hbm>>
    %dma_wait3A_53 = tpu.memref_squeeze %dma_wait3A_52 : memref<1x200x64xf32, #tpu.memory_space<hbm>> -> memref<200x64xf32, #tpu.memory_space<hbm>>
    tpu.wait_dma2 semaphore(%arg18 : memref<!tpu.dma_semaphore, #tpu.memory_space<semaphore_mem>>) src(%arg10 : memref<200x64xf32, #tpu.memory_space<vmem>>) dst(%dma_wait3A_53 : memref<200x64xf32, #tpu.memory_space<hbm>>)
    %dma_wait3A_54 = arith.constant 0 : i32
    %dma_wait3A_55 = arith.constant 0 : i32
    %dma_wait3A_56 = arith.constant 0 : i32
    %dma_wait3A_57 = tpu.memref_slice %arg5[%dma_wait3A_54, %dma_wait3A_55, %dma_wait3A_56] : memref<4096x200x64xf32, #tpu.memory_space<hbm>> -> memref<1x200x64xf32, #tpu.memory_space<hbm>>
    %dma_wait3A_58 = tpu.memref_squeeze %dma_wait3A_57 : memref<1x200x64xf32, #tpu.memory_space<hbm>> -> memref<200x64xf32, #tpu.memory_space<hbm>>
    %dma_wait3A_59 = arith.constant 0 : i32
    %dma_wait3A_60 = arith.constant 0 : i32
    %dma_wait3A_61 = tpu.memref_slice %arg5[%dma_wait3A_54, %dma_wait3A_59, %dma_wait3A_60] : memref<4096x200x64xf32, #tpu.memory_space<hbm>> -> memref<1x200x64xf32, #tpu.memory_space<hbm>>
    %dma_wait3A_62 = tpu.memref_squeeze %dma_wait3A_61 : memref<1x200x64xf32, #tpu.memory_space<hbm>> -> memref<200x64xf32, #tpu.memory_space<hbm>>
    tpu.wait_dma2 semaphore(%arg19 : memref<!tpu.dma_semaphore, #tpu.memory_space<semaphore_mem>>) src(%arg11 : memref<200x64xf32, #tpu.memory_space<vmem>>) dst(%dma_wait3A_62 : memref<200x64xf32, #tpu.memory_space<hbm>>)
    return
  }
}

</mosaic_0001>

<sc_bundles>
// kernel: kernel.3.cloned.1.call-start
scs
__scs_entry_jumppad:
0x0: {  	(pc) =	sbr.rel $0x88, $3  }
0x1: {  	(tag) =	ssettag $0x0;
	lr =	simm.s32 $0x1  }
0x2: {  	[smem:$0x3F9F] =	sst lr;
	_ =	strace $0xD0000000  }
0x3: {  	_ = 	snop  }
0x4: {  	_ = 	snop  }
0x5: {  	_ = 	snop  }
0x6: {  	_ = 	snop  }
0x7: {  	_ = 	snop  }
__scs_overlays_trampoline_lowered:
0x8: {  	[smem:$0x3FAE] =	sst s0  }
0x9: {  	[smem:$0x3FAF] =	sst s1  }
0xa: {  	[smem:$0x3FB0] =	sst s2  }
0xb: {  	[smem:$0x3FB1] =	sst s3  }
0xc: {  	[smem:$0x3FB2] =	sst s4  }
0xd: {  	[smem:$0x3FB3] =	sst s5  }
0xe: {  	[smem:$0x3FB4] =	sst s6  }
0xf: {  	[smem:$0x3FB5] =	sst s7  }
0x10: {  	[smem:$0x3FB6] =	sst s8  }
0x11: {  	[smem:$0x3FB7] =	sst s9;
	s0 =	simm.s32 @!p0 $0x0  }
0x12: {  	s1 =	sld [smem:$0x3F9D];
	s0 =	simm.s32 @p0 $0x1  }
0x13: {  	[smem:$0x3FB8] =	sst s0;
	s0 =	simm.s32 @!p1 $0x0  }
0x14: {  	s2 =	sld [smem:$0x3F9C];
	s0 =	simm.s32 @p1 $0x1  }
0x15: {  	[smem:$0x3FB9] =	sst s0;
	s0 =	simm.s32 @!p2 $0x0  }
0x16: {  	s3 =	sld [smem:$0x3FDB];
	s0 =	simm.s32 @p2 $0x1  }
0x17: {  	s4 =	simm.s32 $0x1BF5;
	[smem:$0x3FBB] =	sst s0  }
0x18: {  	s0 =	sld [smem:$0x3F9E];
	_ =	swait.ge [sflag:s4], $0x0  }
0x19: {  	s7 =	sld [smem:$0x3F9F]  }
0x1a: {  	s8 =	sadd.s32 $0xFFFFE003, lr  }
0x1b: {  	s9 =	sadd.s32 $0xFFFFFEF7, lr;
	s5 =	simm.s32 $0xFFFFFFFF;
	p2 =	slt.u32 s8, $0xFFFFF086  }
0x1c: {  	p1 =	slt.u32 s9, $0xF7A;
	s5 =	simm.s32 @!p2 $0x0  }
0x1d: {  	s5 =	simm.s32 @p1 $0x1;
	p0 =	seq.s32 s7, s2  }
0x1e: {  	s7 =	smul.u32 @!p0 $0xF7A, s2;
	p2 =	seq.s32 @!p0 s5, $0x0  }
0x1f: {  	s9 =	smul.u32 $0xF7A, s1;
	s8 =	simm.s32 @!p0 $0x1BF5;
	p2 =	por !p2, p0  }
0x20: {  	[sflag:s8] =	ssyncset.s32 @!p0 $0xFFFFF086;
	s6 =	sadd.s32 @!p0 s3, s7;
	s7 =	simm.s32 @!p0 $0x108  }
0x21: {  	s3 =	sadd.s32 s3, s9;
	s6 =	sadd.s32 @!p0 $0x88, s6;
	s7 =	simm.s32 @p2 $0x1082  }
0x22: {  	[simem:s7], [sflag:s8] =	dma.local @!p0 [hbm:s6], $0xF7A  }
0x23: {  	s9 =	sor.u32 $0xD0000000, s2;
	s6 =	simm.s32 $0x108;
	_ =	swait.ge @!p0 [sflag:s8], $0x0  }
0x24: {  	s3 =	sadd.s32 $0x88, s3;
	s6 =	simm.s32 @!p1 $0x1082;
	[sflag:s4] =	ssyncset.s32 $0xFFFFF086  }
0x25: {  	[simem:s6], [sflag:s4] =	dma.local [hbm:s3], $0xF7A  }
0x26: {  	[smem:$0x3F9F] =	sst s1;
	(tag) =	ssettag s2;
	_ =	strace s9  }
0x27: {  	s1 =	sld [smem:$0x3FAF]  }
0x28: {  	s2 =	sld [smem:$0x3FB0]  }
0x29: {  	s4 =	sld [smem:$0x3FB2]  }
0x2a: {  	p0 =	seq.s32 s5, $0x0;
	s5 =	sld [smem:$0x3FB3]  }
0x2b: {  	s6 =	sld [smem:$0x3FB4]  }
0x2c: {  	s7 =	sld [smem:$0x3FB5]  }
0x2d: {  	s3 =	simm.s32 $0x108;
	s8 =	sld [smem:$0x3FB6]  }
0x2e: {  	s3 =	simm.s32 @!p0 $0x1082;
	s9 =	sld [smem:$0x3FB7]  }
0x2f: {  	lr =	sadd.s32 s0, s3;
	s0 =	sld [smem:$0x3FAE]  }
0x30: {  	s3 =	sld [smem:$0x3FB1]  }
0x31: {  	[smem:$0x3FBA] =	sst s10  }
0x32: {  	s10 =	sld [smem:$0x3FB8];
	_ =	sdelay $0x3  }
0x33: {  	p0 =	seq.s32 s10, $0x1;
	s10 =	sld [smem:$0x3FBA];
	_ =	sdelay $0x3  }
0x34: {  	[smem:$0x3FBA] =	sst s10  }
0x35: {  	s10 =	sld [smem:$0x3FB9];
	_ =	sdelay $0x3  }
0x36: {  	p1 =	seq.s32 s10, $0x1;
	s10 =	sld [smem:$0x3FBA];
	_ =	sdelay $0x3  }
0x37: {  	[smem:$0x3FBA] =	sst s10  }
0x38: {  	s10 =	sld [smem:$0x3FBB]  }
0x39: {  	_ = 	snop;
	(pc) =	sbr.ind lr, $3  }
0x3a: {  	_ = 	snop  }
0x3b: {  	_ = 	snop  }
0x3c: {  	p2 =	seq.s32 s10, $0x1;
	s10 =	sld [smem:$0x3FBA]  }
0x3d: {  	_ =	shalt  }
0x3e: {  	_ =	shalt  }
0x3f: {  	_ =	shalt  }
0x40: {  	_ =	shalt  }
0x41: {  	_ =	shalt  }
0x42: {  	_ =	shalt  }
0x43: {  	_ =	shalt  }
0x44: {  	_ =	shalt  }
0x45: {  	_ =	shalt  }
0x46: {  	_ =	shalt  }
0x47: {  	_ =	shalt  }
0x48: {  	_ =	shalt  }
0x49: {  	_ =	shalt  }
0x4a: {  	_ =	shalt  }
0x4b: {  	_ =	shalt  }
0x4c: {  	_ =	shalt  }
0x4d: {  	_ =	shalt  }
0x4e: {  	_ =	shalt  }
0x4f: {  	_ =	shalt  }
0x50: {  	_ =	shalt  }
0x51: {  	_ =	shalt  }
0x52: {  	_ =	shalt  }
0x53: {  	_ =	shalt  }
0x54: {  	_ =	shalt  }
0x55: {  	_ =	shalt  }
0x56: {  	_ =	shalt  }
0x57: {  	_ =	shalt  }
0x58: {  	_ =	shalt  }
0x59: {  	_ =	shalt  }
0x5a: {  	_ =	shalt  }
0x5b: {  	_ =	shalt  }
0x5c: {  	_ =	shalt  }
0x5d: {  	_ =	shalt  }
0x5e: {  	_ =	shalt  }
0x5f: {  	_ =	shalt  }
0x60: {  	_ =	shalt  }
0x61: {  	_ =	shalt  }
0x62: {  	_ =	shalt  }
0x63: {  	_ =	shalt  }
0x64: {  	_ =	shalt  }
0x65: {  	_ =	shalt  }
0x66: {  	_ =	shalt  }
0x67: {  	_ =	shalt  }
0x68: {  	_ =	shalt  }
0x69: {  	_ =	shalt  }
0x6a: {  	_ =	shalt  }
0x6b: {  	_ =	shalt  }
0x6c: {  	_ =	shalt  }
0x6d: {  	_ =	shalt  }
0x6e: {  	_ =	shalt  }
0x6f: {  	_ =	shalt  }
0x70: {  	_ =	shalt  }
0x71: {  	_ =	shalt  }
0x72: {  	_ =	shalt  }
0x73: {  	_ =	shalt  }
0x74: {  	_ =	shalt  }
0x75: {  	_ =	shalt  }
0x76: {  	_ =	shalt  }
0x77: {  	_ =	shalt  }
0x78: {  	_ =	shalt  }
0x79: {  	_ =	shalt  }
0x7a: {  	_ =	shalt  }
0x7b: {  	_ =	shalt  }
0x7c: {  	_ =	shalt  }
0x7d: {  	_ =	shalt  }
0x7e: {  	_ =	shalt  }
0x7f: {  	_ =	shalt  }
0x80: {  	_ =	shalt  }
0x81: {  	_ =	shalt  }
0x82: {  	_ =	shalt  }
0x83: {  	_ =	shalt  }
0x84: {  	_ =	shalt  }
0x85: {  	_ =	shalt  }
0x86: {  	_ =	shalt  }
0x87: {  	_ =	shalt  }
.Lfunc_end0:
.L_simem_size_0:
called_computation.1_lowered:
.L_overlay_start_0:
0x88: {  	s2 =	sld [smem:$0x3FD9]  }
0x89: {  	s3 =	sld [smem:$0x3FFE];
	_ =	sdelay $0x1  }
0x8a: {  	s1 =	srdreg.scid  }
0x8b: {  	s0 =	sand.u32 $0x1, s1  }
0x8c: {  	s17 =	sshll.u32 s0, $0xA;
	s2 =	sadd.s32 s3, s2  }
0x8d: {  	s2 =	sadd.s32 s2, s17  }
0x8e: {  	[smem:$0x3FC6] =	sst s2  }
0x8f: {  	_ = 	snop  }
0x90: {  	s2 =	sld [smem:$0x3FD0];
	(tm) =	ssettm $0x1  }
0x91: {  	s18 =	sld [smem:$0x3FFB];
	_ =	sdelay $0x3  }
0x92: {  	_ =	strace s18  }
0x93: {  	s3 =	sld [smem:$0x3FFC];
	_ =	sdelay $0x3  }
0x94: {  	_ =	strace s3  }
0x95: {  	s3 =	sld [smem:$0x3FFD];
	_ =	sdelay $0x3  }
0x96: {  	_ =	strace s3  }
0x97: {  	_ =	strace $0x8FFFFFFF  }
0x98: {  	s19 =	sld [smem:$0x3FDB];
	_ =	sdelay $0x1  }
0x99: {  	s4 =	simm.s32 $_scs_section_size  }
0x9a: {  	s5 =	simm.s32 $_size__tile_overlayer_lowered;
	s6 =	simm.s32 $_tile_overlayer_lowered  }
0x9b: {  	s22 =	simm.s32 $0x1BFF;
	s21 =	sshll.u32 s6, $0x1;
	s3 =	sadd.s32 s4, s19  }
0x9c: {  	s7 =	simm.s32 $0x0;
	s20 =	sshll.u32 s5, $0x1;
	s5 =	sadd.s32 s21, s3  }
0x9d: {  	[timem:s7], [sflag:s22] =	dma.local [hbm:s5], s20  }
0x9e: {  	_ =	swait.ge [sflag:s22], s20  }
0x9f: {  	s4 =	ssub.s32 $0x0, s20;
	[sflag:s22] =	ssyncset.done $0x0  }
0xa0: {  	[sflag:s22] =	ssyncadd.s32 s4;
	_ =	sdelay $0x1  }
0xa1: {  	s23 =	simm.s32 $0x1B8B  }
0xa2: {  	_ =	swait.ge [sflag:s23], $0x1  }
0xa3: {  	[sflag:s23] =	ssyncset.done $0x0  }
0xa4: {  	s25 =	simm.s32 $0x1B8E;
	s24 =	sld [smem:$0x3FFE];
	[sflag:s23] =	ssyncadd.s32 $0xFFFFFFFF  }
0xa5: {  	s26 =	simm.s32 $execute0_lowered;
	[smem:$0x3FD2] =	sst s25  }
0xa6: {  	s5 =	sshll.u32 s26, $0x1;
	_ =	strace $0x80000046;
	[dreg:$0x1] =	wrdreg $0xFFFFFFFF  }
0xa7: {  	s28 =	simm.s32 $_size_execute0_lowered;
	s3 =	sadd.s32 s3, s5;
	[dreg:$0x0] =	wrdreg $0x0  }
0xa8: {  	s5 =	sshll.u32 s28, $0x1;
	[dreg:$0x2] =	wrdreg s3  }
0xa9: {  	[dreg:$0x3] =	wrdreg s5  }
0xaa: {  	[dreg:$0x4] =	wrdreg $0xC0  }
0xab: {  	_ =	task [dreg:s7], $0x5FFFF  }
0xac: {  	[dreg:$0x1] =	wrdreg $0xFFFFFFFF  }
0xad: {  	[dreg:$0x0] =	wrdreg $0x60  }
0xae: {  	[dreg:$0x2] =	wrdreg s24  }
0xaf: {  	[dreg:$0x3] =	wrdreg s2  }
0xb0: {  	[dreg:$0x4] =	wrdreg $0x9  }
0xb1: {  	_ =	task.clear_ibuf [dreg:s7], $0x5FFFF;
	_ =	strace $0x90000046  }
0xb2: {  	s29 =	simm.s32 $0x9;
	_ =	strace $0x80000048  }
0xb3: {  	_ =	swait.ge [sflag:s29], $0x1  }
0xb4: {  	[sflag:s29] =	ssyncadd.s32 $0xFFFFFFFF  }
0xb5: {  	_ =	strace $0x90000048  }
0xb6: {  	_ =	sfence  }
0xb7: {  	s30 =	sld [smem:$0x0];
	_ =	sdelay $0x2  }
0xb8: {  	s31 =	sshll.u32 s1, $0xD;
	s1 =	sshrl.u32 s1, $0x2  }
0xb9: {  	s3 =	sand.u32 $0x4000, s31;
	s1 =	sadd.s32 s1, s30  }
0xba: {  	s0 =	sor.u32 s3, s0;
	s1 =	sshll.u32 s1, $0x11  }
0xbb: {  	s0 =	sor.u32 s1, s0  }
0xbc: {  	s0 =	sadd.s32 $0x8F2B, s0  }
0xbd: {  	[sflag:s0] =	ssyncadd.remote.s32 $0x1  }
0xbe: {  	_ =	sfence.sel $0xFFFF  }
0xbf: {  	[dreg:$0x0] =	wrdreg $0xFFFFFFFF;
	(pc) =	sbr.abs _section_cstart, $3  }
0xc0: {  	[dreg:$0x1] =	wrdreg $0xFFFFFFFF  }
0xc1: {  	_ =	task.clear_ibuf [dreg:s7], $0x2FFFF;
	_ =	strace $0x9FFFFFFF  }
0xc2: {  	(tm) =	ssettm $0x7FFFFFFF  }
0xc3: {  	_ =	shalt  }
tec
execute0_lowered:
.L_overlay_start_1:
0x0: {  	(tag) =	ssettag $0x1  }
0x1: {  	s0 =	srdreg.scid  }
0x2: {  	s1 =	rddreg [dreg:$0x0];
	s3 =	stileid.u32  }
0x3: {  	s2 =	rddreg [dreg:$0x1];
	s9 =	simm.s32 $0x9;
	s11 =	simm.s32 $0x60  }
0x4: {  	s12 =	simm.s32 $0x9600;
	s13 =	simm.s32 $0x68;
	s16 =	simm.s32 $0xC800  }
0x5: {  	s19 =	simm.s32 $0xFA00;
	s20 =	simm.s32 $0x11200;
	s21 =	simm.s32 $0x1  }
0x6: {  	s22 =	simm.s32 $0x12C00;
	s23 =	simm.s32 $0x14400;
	s24 =	simm.s32 $0x2  }
0x7: {  	s25 =	simm.s32 $0x5;
	s26 =	simm.s32 $0x3;
	s28 =	simm.s32 $0x6  }
0x8: {  	s29 =	simm.s32 $0x4;
	s30 =	simm.s32 $0x7;
	s0 =	sand.u32 $0x1, s0  }
0x9: {  	s4 =	sshll.u32 s3, $0x8;
	s5 =	sshll.u32 s0, $0x7;
	s0 =	ssub.s32 $0x2, s0  }
0xa: {  	s3 =	simm.s32 $0x0;
	s4 =	sor.u32 s5, s4;
	s7 =	sshrl.u32 s0, $0x1  }
0xb: {  	[smem:$0x7FF] =	sst s3;
	s5 =	smul.u32 $0x19, s4;
	s0 =	ssub.s32 s0, s7  }
0xc: {  	s31 =	simm.s32 $0x8;
	_ =	strace $0x80000047;
	s8 =	smax.u32 s0, $0x1  }
0xd: {  	s6 =	sadd.s32 s5, s1;
	s5 =	sadd.s32 $0xF43000, s1;
	s1 =	sadd.s32 $0x19C00, s1  }
0xe: {  	[dreg:$0x3] =	wrdreg s1;
	s7 =	sadd.s32 $0xC00, s6;
	s1 =	simm.s32 $0x0  }
.LBB2_1:
0xf: {  	[tilespmem:s3], [sflag:$0x9] =	stream.linear.gather [hbm4b:s7+s3], $0x6400, $0x38;
	[tilespmem:$0x15E00] =	vst v63  }
0x10: {  	_ =	swait.ge [sflag:s9], $0x6400  }
0x11: {  	[sflag:s9] =	ssyncset.done $0x0  }
0x12: {  	s6 =	simm.s32 $0x6400;
	s0 =	rddreg [dreg:$0x3];
	[sflag:s9] =	ssyncadd.s32 $0xFFFF9C00  }
0x13: {  	[tilespmem:s6], [sflag:$0x9] =	stream.linear.gather [hbm4b:s0+s3], $0x3200, $0x38;
	[tilespmem:$0x15E00] =	vst v63  }
0x14: {  	_ =	swait.ge [sflag:s9], $0x3200  }
0x15: {  	[sflag:s9] =	ssyncset.done $0x0  }
0x16: {  	[sflag:s9] =	ssyncadd.s32 $0xFFFFCE00  }
0x17: {  	[tilespmem:s12], [sflag:$0x1] =	stream.indirect.gather [hbm4b:s5+s11], $0x40, s3, s11, $0xb8;
	[tilespmem:$0x15E00] =	vst v63  }
0x18: {  	s14 =	simm.s32 $0xAE00  }
0x19: {  	[tilespmem:s14], [sflag:$0x1] =	stream.indirect.gather [hbm4b:s5+s13], $0x40, s11, s13, $0xb8;
	[tilespmem:$0x15E00] =	vst v63  }
0x1a: {  	s15 =	simm.s32 $0xC8  }
0x1b: {  	[tilespmem:s16], [sflag:$0x2] =	stream.indirect.gather [hbm4b:s5+s11], $0x40, s15, s11, $0xb8;
	[tilespmem:$0x15E00] =	vst v63  }
0x1c: {  	s17 =	simm.s32 $0x128;
	s18 =	simm.s32 $0xE000;
	s0 =	simm.s32 $0x0  }
0x1d: {  	[tilespmem:s18], [sflag:$0x2] =	stream.indirect.gather [hbm4b:s5+s13], $0x40, s17, s13, $0xb8;
	[tilespmem:$0x15E00] =	vst v63  }
.LBB2_2:
0x1e: {  	s15 =	sshll.u32 s0, $0x2;
	p0 =	seq.s32 s0, $0x0  }
0x1f: {  	s14 =	sor.u32 $0x2, s15;
	s6 =	simm.s32 @!p0 $0x7  }
0x20: {  	_ =	swait.ge @!p0 [sflag:s6], $0x3200;
	s10 =	smul.u32 $0x320, s14  }
0x21: {  	[sflag:s6] =	ssyncset.done @!p0 $0x0  }
0x22: {  	[sflag:s6] =	ssyncadd.s32 @!p0 $0xFFFFCE00;
	s18 =	sshra.s32 s10, $0x2  }
0x23: {  	[tilespmem:s19], [sflag:$0x3] =	stream.indirect.gather [hbm4b:s5+s11], $0x40, s18, s11, $0xb8;
	[tilespmem:$0x15E00] =	vst v63  }
0x24: {  	s6 =	sadd.s32 $0x60, s18  }
0x25: {  	[tilespmem:s20], [sflag:$0x3] =	stream.indirect.gather [hbm4b:s5+s13], $0x40, s6, s13, $0xb8;
	[tilespmem:$0x15E00] =	vst v63  }
0x26: {  	_ =	swait.ge [sflag:s21], $0x3200  }
0x27: {  	[sflag:s21] =	ssyncset.done $0x0  }
0x28: {  	s10 =	simm.s32 $0x0;
	[sflag:s21] =	ssyncadd.s32 $0xFFFFCE00  }
0x29: {  	v0 =	vld [tilespmem:s10+$0x64F0]  }
0x2a: {  	v1 =	vld [tilespmem:s10+$0x6400]  }
0x2b: {  	v2 =	vld [tilespmem:s10+$0x6410]  }
0x2c: {  	v3 =	vld [tilespmem:s10+$0x6420]  }
0x2d: {  	v4 =	vld [tilespmem:s10+$0x6430]  }
0x2e: {  	v5 =	vld [tilespmem:s10+$0x6440]  }
0x2f: {  	v6 =	vld [tilespmem:s10+$0x6450]  }
0x30: {  	v7 =	vld [tilespmem:s10+$0x6460]  }
0x31: {  	v8 =	vld [tilespmem:s10+$0x6470]  }
0x32: {  	v9 =	vld [tilespmem:s10+$0x6480]  }
0x33: {  	v10 =	vld [tilespmem:s10+$0x6490]  }
0x34: {  	v11 =	vld [tilespmem:s10+$0x64A0]  }
0x35: {  	v12 =	vld [tilespmem:s10+$0x64B0]  }
0x36: {  	v13 =	vld [tilespmem:s10+$0x64C0]  }
0x37: {  	v14 =	vld [tilespmem:s10+$0x64D0]  }
0x38: {  	[tilespmem:s10+$0x96F0] =	vst.add.f32.msk $0xffff, v0  }
0x39: {  	v0 =	vld [tilespmem:s10+$0x64E0]  }
0x3a: {  	[tilespmem:s10+$0x9600] =	vst.add.f32.msk $0xffff, v1  }
0x3b: {  	[tilespmem:s10+$0x9610] =	vst.add.f32.msk $0xffff, v2  }
0x3c: {  	[tilespmem:s10+$0x9620] =	vst.add.f32.msk $0xffff, v3  }
0x3d: {  	[tilespmem:s10+$0x9630] =	vst.add.f32.msk $0xffff, v4  }
0x3e: {  	[tilespmem:s10+$0x9640] =	vst.add.f32.msk $0xffff, v5  }
0x3f: {  	[tilespmem:s10+$0x9650] =	vst.add.f32.msk $0xffff, v6  }
0x40: {  	[tilespmem:s10+$0x9660] =	vst.add.f32.msk $0xffff, v7  }
0x41: {  	[tilespmem:s10+$0x9670] =	vst.add.f32.msk $0xffff, v8  }
0x42: {  	[tilespmem:s10+$0x9680] =	vst.add.f32.msk $0xffff, v9  }
0x43: {  	[tilespmem:s10+$0x9690] =	vst.add.f32.msk $0xffff, v10  }
0x44: {  	[tilespmem:s10+$0x96A0] =	vst.add.f32.msk $0xffff, v11  }
0x45: {  	[tilespmem:s10+$0x96B0] =	vst.add.f32.msk $0xffff, v12  }
0x46: {  	[tilespmem:s10+$0x96C0] =	vst.add.f32.msk $0xffff, v13  }
0x47: {  	s17 =	simm.s32 $0x0;
	s18 =	simm.s32 $0x400;
	[tilespmem:s10+$0x96D0] =	vst.add.f32.msk $0xffff, v14  }
.LBB2_3:
0x48: {  	s17 =	sadd.s32 $0x4, s17;
	[tilespmem:s10+$0x96E0] =	vst.add.f32.msk $0xffff, v0;
	s10 =	sshra.s32 s18, $0x2  }
0x49: {  	v0 =	vld [tilespmem:s10+$0x64F0];
	p1 =	slt.u32 s17, $0xC4  }
0x4a: {  	v1 =	vld [tilespmem:s10+$0x6400]  }
0x4b: {  	v2 =	vld [tilespmem:s10+$0x6410]  }
0x4c: {  	v3 =	vld [tilespmem:s10+$0x6420]  }
0x4d: {  	v4 =	vld [tilespmem:s10+$0x6430]  }
0x4e: {  	[tilespmem:s10+$0x96F0] =	vst.add.f32.msk $0xffff, v0  }
0x4f: {  	v5 =	vld [tilespmem:s10+$0x6440]  }
0x50: {  	v6 =	vld [tilespmem:s10+$0x6450]  }
0x51: {  	v7 =	vld [tilespmem:s10+$0x6460]  }
0x52: {  	v8 =	vld [tilespmem:s10+$0x6470]  }
0x53: {  	v9 =	vld [tilespmem:s10+$0x6480]  }
0x54: {  	v10 =	vld [tilespmem:s10+$0x6490]  }
0x55: {  	v11 =	vld [tilespmem:s10+$0x64A0]  }
0x56: {  	v12 =	vld [tilespmem:s10+$0x64B0]  }
0x57: {  	v13 =	vld [tilespmem:s10+$0x64C0]  }
0x58: {  	v14 =	vld [tilespmem:s10+$0x64D0]  }
0x59: {  	v0 =	vld [tilespmem:s10+$0x64E0]  }
0x5a: {  	[tilespmem:s10+$0x9600] =	vst.add.f32.msk $0xffff, v1  }
0x5b: {  	[tilespmem:s10+$0x9610] =	vst.add.f32.msk $0xffff, v2  }
0x5c: {  	[tilespmem:s10+$0x9620] =	vst.add.f32.msk $0xffff, v3  }
0x5d: {  	[tilespmem:s10+$0x9630] =	vst.add.f32.msk $0xffff, v4  }
0x5e: {  	[tilespmem:s10+$0x9640] =	vst.add.f32.msk $0xffff, v5  }
0x5f: {  	[tilespmem:s10+$0x9650] =	vst.add.f32.msk $0xffff, v6  }
0x60: {  	[tilespmem:s10+$0x9660] =	vst.add.f32.msk $0xffff, v7  }
0x61: {  	[tilespmem:s10+$0x9670] =	vst.add.f32.msk $0xffff, v8  }
0x62: {  	[tilespmem:s10+$0x9680] =	vst.add.f32.msk $0xffff, v9  }
.Ltmp0:
0x63: {  	[tilespmem:s10+$0x9690] =	vst.add.f32.msk $0xffff, v10;
	(pc) =	sbr.rel @p1 .LBB2_3-.Ltmp0, $4  }
0x64: {  	[tilespmem:s10+$0x96A0] =	vst.add.f32.msk $0xffff, v11  }
0x65: {  	[tilespmem:s10+$0x96B0] =	vst.add.f32.msk $0xffff, v12  }
0x66: {  	[tilespmem:s10+$0x96C0] =	vst.add.f32.msk $0xffff, v13  }
0x67: {  	s18 =	sadd.s32 $0x400, s18;
	[tilespmem:s10+$0x96D0] =	vst.add.f32.msk $0xffff, v14  }
0x68: {  	s6 =	sadd.s32 s4, s15  }
0x69: {  	s6 =	smul.u32 $0x640, s6;
	_ =	sdelay $0x1  }
0x6a: {  	[tilespmem:s10+$0x96E0] =	vst.add.f32.msk $0xffff, v0;
	s6 =	sadd.s32 s2, s6  }
0x6b: {  	[hbm4b:s6+s3] =	stream.linear.scatter [tilespmem:s12], [sflag:$0x5], $0x3200, $0x38;
	[tilespmem:$0x15E00] =	vst v63  }
0x6c: {  	s10 =	sor.u32 $0x3, s15;
	s6 =	simm.s32 @!p0 $0x8  }
0x6d: {  	s17 =	smul.u32 $0x320, s10;
	_ =	swait.ge @!p0 [sflag:s6], $0x3200  }
0x6e: {  	[sflag:s6] =	ssyncset.done @!p0 $0x0  }
0x6f: {  	s18 =	sshra.s32 s17, $0x2;
	[sflag:s6] =	ssyncadd.s32 @!p0 $0xFFFFCE00  }
0x70: {  	[tilespmem:s22], [sflag:$0x4] =	stream.indirect.gather [hbm4b:s5+s11], $0x40, s18, s11, $0xb8;
	[tilespmem:$0x15E00] =	vst v63  }
0x71: {  	s6 =	sadd.s32 $0x60, s18  }
0x72: {  	[tilespmem:s23], [sflag:$0x4] =	stream.indirect.gather [hbm4b:s5+s13], $0x40, s6, s13, $0xb8;
	[tilespmem:$0x15E00] =	vst v63  }
0x73: {  	_ =	swait.ge [sflag:s24], $0x3200  }
0x74: {  	[sflag:s24] =	ssyncset.done $0x0  }
0x75: {  	s17 =	simm.s32 $0x0;
	[sflag:s24] =	ssyncadd.s32 $0xFFFFCE00  }
0x76: {  	v0 =	vld [tilespmem:s17+$0x64F0]  }
0x77: {  	v1 =	vld [tilespmem:s17+$0x6400]  }
0x78: {  	v2 =	vld [tilespmem:s17+$0x6410]  }
0x79: {  	v3 =	vld [tilespmem:s17+$0x6420]  }
0x7a: {  	v4 =	vld [tilespmem:s17+$0x6430]  }
0x7b: {  	v5 =	vld [tilespmem:s17+$0x6440]  }
0x7c: {  	v6 =	vld [tilespmem:s17+$0x6450]  }
0x7d: {  	v7 =	vld [tilespmem:s17+$0x6460]  }
0x7e: {  	v8 =	vld [tilespmem:s17+$0x6470]  }
0x7f: {  	v9 =	vld [tilespmem:s17+$0x6480]  }
0x80: {  	v10 =	vld [tilespmem:s17+$0x6490]  }
0x81: {  	v11 =	vld [tilespmem:s17+$0x64A0]  }
0x82: {  	v12 =	vld [tilespmem:s17+$0x64B0]  }
0x83: {  	v13 =	vld [tilespmem:s17+$0x64C0]  }
0x84: {  	v14 =	vld [tilespmem:s17+$0x64D0]  }
0x85: {  	[tilespmem:s17+$0xC8F0] =	vst.add.f32.msk $0xffff, v0  }
0x86: {  	v0 =	vld [tilespmem:s17+$0x64E0]  }
0x87: {  	[tilespmem:s17+$0xC800] =	vst.add.f32.msk $0xffff, v1  }
0x88: {  	[tilespmem:s17+$0xC810] =	vst.add.f32.msk $0xffff, v2  }
0x89: {  	[tilespmem:s17+$0xC820] =	vst.add.f32.msk $0xffff, v3  }
0x8a: {  	[tilespmem:s17+$0xC830] =	vst.add.f32.msk $0xffff, v4  }
0x8b: {  	[tilespmem:s17+$0xC840] =	vst.add.f32.msk $0xffff, v5  }
0x8c: {  	[tilespmem:s17+$0xC850] =	vst.add.f32.msk $0xffff, v6  }
0x8d: {  	[tilespmem:s17+$0xC860] =	vst.add.f32.msk $0xffff, v7  }
0x8e: {  	[tilespmem:s17+$0xC870] =	vst.add.f32.msk $0xffff, v8  }
0x8f: {  	[tilespmem:s17+$0xC880] =	vst.add.f32.msk $0xffff, v9  }
0x90: {  	[tilespmem:s17+$0xC890] =	vst.add.f32.msk $0xffff, v10  }
0x91: {  	[tilespmem:s17+$0xC8A0] =	vst.add.f32.msk $0xffff, v11  }
0x92: {  	[tilespmem:s17+$0xC8B0] =	vst.add.f32.msk $0xffff, v12  }
0x93: {  	[tilespmem:s17+$0xC8C0] =	vst.add.f32.msk $0xffff, v13  }
0x94: {  	s15 =	sor.u32 $0x1, s15;
	s18 =	simm.s32 $0x0;
	s6 =	simm.s32 $0x400;
	[tilespmem:s17+$0xC8D0] =	vst.add.f32.msk $0xffff, v14  }
.LBB2_5:
0x95: {  	s18 =	sadd.s32 $0x4, s18;
	[tilespmem:s17+$0xC8E0] =	vst.add.f32.msk $0xffff, v0;
	s17 =	sshra.s32 s6, $0x2  }
0x96: {  	v0 =	vld [tilespmem:s17+$0x64F0];
	p0 =	slt.u32 s18, $0xC4  }
0x97: {  	v1 =	vld [tilespmem:s17+$0x6400]  }
0x98: {  	v2 =	vld [tilespmem:s17+$0x6410]  }
0x99: {  	v3 =	vld [tilespmem:s17+$0x6420]  }
0x9a: {  	v4 =	vld [tilespmem:s17+$0x6430]  }
0x9b: {  	[tilespmem:s17+$0xC8F0] =	vst.add.f32.msk $0xffff, v0  }
0x9c: {  	v5 =	vld [tilespmem:s17+$0x6440]  }
0x9d: {  	v6 =	vld [tilespmem:s17+$0x6450]  }
0x9e: {  	v7 =	vld [tilespmem:s17+$0x6460]  }
0x9f: {  	v8 =	vld [tilespmem:s17+$0x6470]  }
0xa0: {  	v9 =	vld [tilespmem:s17+$0x6480]  }
0xa1: {  	v10 =	vld [tilespmem:s17+$0x6490]  }
0xa2: {  	v11 =	vld [tilespmem:s17+$0x64A0]  }
0xa3: {  	v12 =	vld [tilespmem:s17+$0x64B0]  }
0xa4: {  	v13 =	vld [tilespmem:s17+$0x64C0]  }
0xa5: {  	v14 =	vld [tilespmem:s17+$0x64D0]  }
0xa6: {  	v0 =	vld [tilespmem:s17+$0x64E0]  }
0xa7: {  	[tilespmem:s17+$0xC800] =	vst.add.f32.msk $0xffff, v1  }
0xa8: {  	[tilespmem:s17+$0xC810] =	vst.add.f32.msk $0xffff, v2  }
0xa9: {  	[tilespmem:s17+$0xC820] =	vst.add.f32.msk $0xffff, v3  }
0xaa: {  	[tilespmem:s17+$0xC830] =	vst.add.f32.msk $0xffff, v4  }
0xab: {  	[tilespmem:s17+$0xC840] =	vst.add.f32.msk $0xffff, v5  }
0xac: {  	[tilespmem:s17+$0xC850] =	vst.add.f32.msk $0xffff, v6  }
0xad: {  	[tilespmem:s17+$0xC860] =	vst.add.f32.msk $0xffff, v7  }
0xae: {  	[tilespmem:s17+$0xC870] =	vst.add.f32.msk $0xffff, v8  }
0xaf: {  	[tilespmem:s17+$0xC880] =	vst.add.f32.msk $0xffff, v9  }
.Ltmp1:
0xb0: {  	[tilespmem:s17+$0xC890] =	vst.add.f32.msk $0xffff, v10;
	(pc) =	sbr.rel @p0 .LBB2_5-.Ltmp1, $4  }
0xb1: {  	[tilespmem:s17+$0xC8A0] =	vst.add.f32.msk $0xffff, v11  }
0xb2: {  	[tilespmem:s17+$0xC8B0] =	vst.add.f32.msk $0xffff, v12  }
0xb3: {  	[tilespmem:s17+$0xC8C0] =	vst.add.f32.msk $0xffff, v13  }
0xb4: {  	s6 =	sadd.s32 $0x400, s6;
	[tilespmem:s17+$0xC8D0] =	vst.add.f32.msk $0xffff, v14  }
0xb5: {  	s6 =	sadd.s32 s4, s15  }
0xb6: {  	s6 =	smul.u32 $0x640, s6;
	_ =	sdelay $0x1  }
0xb7: {  	[tilespmem:s17+$0xC8E0] =	vst.add.f32.msk $0xffff, v0;
	p0 =	seq.s32 s0, $0x1F;
	s6 =	sadd.s32 s2, s6  }
0xb8: {  	[hbm4b:s6+s3] =	stream.linear.scatter [tilespmem:s16], [sflag:$0x6], $0x3200, $0x38;
	[tilespmem:$0x15E00] =	vst v63  }
0xb9: {  	s6 =	smul.u32 @!p0 $0xC80, s0  }
0xba: {  	_ =	swait.ge [sflag:s25], $0x3200  }
0xbb: {  	s17 =	simm.s32 @!p0 $0x60;
	[sflag:s25] =	ssyncset.done $0x0;
	s15 =	sshra.s32 @!p0 s6, $0x2  }
0xbc: {  	s18 =	simm.s32 @!p0 $0x9600;
	[sflag:s25] =	ssyncadd.s32 $0xFFFFCE00;
	s6 =	sadd.s32 @!p0 $0x320, s15  }
0xbd: {  	[tilespmem:s18], [sflag:$0x1] =	stream.indirect.gather @!p0 [hbm4b:s5+s17], $0x40, s6, s17, $0xb8;
	[tilespmem:$0x15E00] =	vst v63  }
0xbe: {  	s6 =	sadd.s32 @!p0 $0x380, s15;
	s17 =	simm.s32 @!p0 $0x68;
	s18 =	simm.s32 @!p0 $0xAE00  }
0xbf: {  	[tilespmem:s18], [sflag:$0x1] =	stream.indirect.gather @!p0 [hbm4b:s5+s17], $0x40, s6, s17, $0xb8;
	[tilespmem:$0x15E00] =	vst v63  }
0xc0: {  	_ =	swait.ge [sflag:s26], $0x3200  }
0xc1: {  	[sflag:s26] =	ssyncset.done $0x0  }
0xc2: {  	s17 =	simm.s32 $0x0;
	[sflag:s26] =	ssyncadd.s32 $0xFFFFCE00  }
0xc3: {  	v0 =	vld [tilespmem:s17+$0x64F0]  }
0xc4: {  	v1 =	vld [tilespmem:s17+$0x6400]  }
0xc5: {  	v2 =	vld [tilespmem:s17+$0x6410]  }
0xc6: {  	v3 =	vld [tilespmem:s17+$0x6420]  }
0xc7: {  	v4 =	vld [tilespmem:s17+$0x6430]  }
0xc8: {  	v5 =	vld [tilespmem:s17+$0x6440]  }
0xc9: {  	v6 =	vld [tilespmem:s17+$0x6450]  }
0xca: {  	v7 =	vld [tilespmem:s17+$0x6460]  }
0xcb: {  	v8 =	vld [tilespmem:s17+$0x6470]  }
0xcc: {  	v9 =	vld [tilespmem:s17+$0x6480]  }
0xcd: {  	v10 =	vld [tilespmem:s17+$0x6490]  }
0xce: {  	v11 =	vld [tilespmem:s17+$0x64A0]  }
0xcf: {  	v12 =	vld [tilespmem:s17+$0x64B0]  }
0xd0: {  	v13 =	vld [tilespmem:s17+$0x64C0]  }
0xd1: {  	v14 =	vld [tilespmem:s17+$0x64D0]  }
0xd2: {  	[tilespmem:s17+$0xFAF0] =	vst.add.f32.msk $0xffff, v0  }
0xd3: {  	v0 =	vld [tilespmem:s17+$0x64E0]  }
0xd4: {  	[tilespmem:s17+$0xFA00] =	vst.add.f32.msk $0xffff, v1  }
0xd5: {  	[tilespmem:s17+$0xFA10] =	vst.add.f32.msk $0xffff, v2  }
0xd6: {  	[tilespmem:s17+$0xFA20] =	vst.add.f32.msk $0xffff, v3  }
0xd7: {  	[tilespmem:s17+$0xFA30] =	vst.add.f32.msk $0xffff, v4  }
0xd8: {  	[tilespmem:s17+$0xFA40] =	vst.add.f32.msk $0xffff, v5  }
0xd9: {  	[tilespmem:s17+$0xFA50] =	vst.add.f32.msk $0xffff, v6  }
0xda: {  	[tilespmem:s17+$0xFA60] =	vst.add.f32.msk $0xffff, v7  }
0xdb: {  	[tilespmem:s17+$0xFA70] =	vst.add.f32.msk $0xffff, v8  }
0xdc: {  	[tilespmem:s17+$0xFA80] =	vst.add.f32.msk $0xffff, v9  }
0xdd: {  	[tilespmem:s17+$0xFA90] =	vst.add.f32.msk $0xffff, v10  }
0xde: {  	[tilespmem:s17+$0xFAA0] =	vst.add.f32.msk $0xffff, v11  }
0xdf: {  	[tilespmem:s17+$0xFAB0] =	vst.add.f32.msk $0xffff, v12  }
0xe0: {  	[tilespmem:s17+$0xFAC0] =	vst.add.f32.msk $0xffff, v13  }
0xe1: {  	s18 =	simm.s32 $0x0;
	s6 =	simm.s32 $0x400;
	[tilespmem:s17+$0xFAD0] =	vst.add.f32.msk $0xffff, v14  }
.LBB2_7:
0xe2: {  	s18 =	sadd.s32 $0x4, s18;
	[tilespmem:s17+$0xFAE0] =	vst.add.f32.msk $0xffff, v0;
	s17 =	sshra.s32 s6, $0x2  }
0xe3: {  	v0 =	vld [tilespmem:s17+$0x64F0];
	p1 =	slt.u32 s18, $0xC4  }
0xe4: {  	v1 =	vld [tilespmem:s17+$0x6400]  }
0xe5: {  	v2 =	vld [tilespmem:s17+$0x6410]  }
0xe6: {  	v3 =	vld [tilespmem:s17+$0x6420]  }
0xe7: {  	v4 =	vld [tilespmem:s17+$0x6430]  }
0xe8: {  	[tilespmem:s17+$0xFAF0] =	vst.add.f32.msk $0xffff, v0  }
0xe9: {  	v5 =	vld [tilespmem:s17+$0x6440]  }
0xea: {  	v6 =	vld [tilespmem:s17+$0x6450]  }
0xeb: {  	v7 =	vld [tilespmem:s17+$0x6460]  }
0xec: {  	v8 =	vld [tilespmem:s17+$0x6470]  }
0xed: {  	v9 =	vld [tilespmem:s17+$0x6480]  }
0xee: {  	v10 =	vld [tilespmem:s17+$0x6490]  }
0xef: {  	v11 =	vld [tilespmem:s17+$0x64A0]  }
0xf0: {  	v12 =	vld [tilespmem:s17+$0x64B0]  }
0xf1: {  	v13 =	vld [tilespmem:s17+$0x64C0]  }
0xf2: {  	v14 =	vld [tilespmem:s17+$0x64D0]  }
0xf3: {  	v0 =	vld [tilespmem:s17+$0x64E0]  }
0xf4: {  	[tilespmem:s17+$0xFA00] =	vst.add.f32.msk $0xffff, v1  }
0xf5: {  	[tilespmem:s17+$0xFA10] =	vst.add.f32.msk $0xffff, v2  }
0xf6: {  	[tilespmem:s17+$0xFA20] =	vst.add.f32.msk $0xffff, v3  }
0xf7: {  	[tilespmem:s17+$0xFA30] =	vst.add.f32.msk $0xffff, v4  }
0xf8: {  	[tilespmem:s17+$0xFA40] =	vst.add.f32.msk $0xffff, v5  }
0xf9: {  	[tilespmem:s17+$0xFA50] =	vst.add.f32.msk $0xffff, v6  }
0xfa: {  	[tilespmem:s17+$0xFA60] =	vst.add.f32.msk $0xffff, v7  }
0xfb: {  	[tilespmem:s17+$0xFA70] =	vst.add.f32.msk $0xffff, v8  }
0xfc: {  	[tilespmem:s17+$0xFA80] =	vst.add.f32.msk $0xffff, v9  }
.Ltmp2:
0xfd: {  	[tilespmem:s17+$0xFA90] =	vst.add.f32.msk $0xffff, v10;
	(pc) =	sbr.rel @p1 .LBB2_7-.Ltmp2, $4  }
0xfe: {  	[tilespmem:s17+$0xFAA0] =	vst.add.f32.msk $0xffff, v11  }
0xff: {  	[tilespmem:s17+$0xFAB0] =	vst.add.f32.msk $0xffff, v12  }
0x100: {  	[tilespmem:s17+$0xFAC0] =	vst.add.f32.msk $0xffff, v13  }
0x101: {  	s6 =	sadd.s32 $0x400, s6;
	[tilespmem:s17+$0xFAD0] =	vst.add.f32.msk $0xffff, v14  }
0x102: {  	s6 =	sadd.s32 s4, s14  }
0x103: {  	s6 =	smul.u32 $0x640, s6;
	_ =	sdelay $0x1  }
0x104: {  	[tilespmem:s17+$0xFAE0] =	vst.add.f32.msk $0xffff, v0;
	s6 =	sadd.s32 s2, s6  }
0x105: {  	[hbm4b:s6+s3] =	stream.linear.scatter [tilespmem:s19], [sflag:$0x7], $0x3200, $0x38;
	[tilespmem:$0x15E00] =	vst v63  }
0x106: {  	_ =	swait.ge [sflag:s28], $0x3200  }
0x107: {  	s14 =	simm.s32 @!p0 $0x60;
	[sflag:s28] =	ssyncset.done $0x0  }
0x108: {  	s17 =	simm.s32 @!p0 $0xC800;
	s6 =	sadd.s32 @!p0 $0x3E8, s15;
	[sflag:s28] =	ssyncadd.s32 $0xFFFFCE00  }
0x109: {  	[tilespmem:s17], [sflag:$0x2] =	stream.indirect.gather @!p0 [hbm4b:s5+s14], $0x40, s6, s14, $0xb8;
	[tilespmem:$0x15E00] =	vst v63  }
0x10a: {  	s6 =	sadd.s32 @!p0 $0x448, s15;
	s14 =	simm.s32 @!p0 $0x68;
	s15 =	simm.s32 @!p0 $0xE000  }
0x10b: {  	[tilespmem:s15], [sflag:$0x2] =	stream.indirect.gather @!p0 [hbm4b:s5+s14], $0x40, s6, s14, $0xb8;
	[tilespmem:$0x15E00] =	vst v63  }
0x10c: {  	_ =	swait.ge [sflag:s29], $0x3200  }
0x10d: {  	[sflag:s29] =	ssyncset.done $0x0  }
0x10e: {  	s14 =	simm.s32 $0x0;
	[sflag:s29] =	ssyncadd.s32 $0xFFFFCE00  }
0x10f: {  	v0 =	vld [tilespmem:s14+$0x64F0]  }
0x110: {  	v1 =	vld [tilespmem:s14+$0x6400]  }
0x111: {  	v2 =	vld [tilespmem:s14+$0x6410]  }
0x112: {  	v3 =	vld [tilespmem:s14+$0x6420]  }
0x113: {  	v4 =	vld [tilespmem:s14+$0x6430]  }
0x114: {  	v5 =	vld [tilespmem:s14+$0x6440]  }
0x115: {  	v6 =	vld [tilespmem:s14+$0x6450]  }
0x116: {  	v7 =	vld [tilespmem:s14+$0x6460]  }
0x117: {  	v8 =	vld [tilespmem:s14+$0x6470]  }
0x118: {  	v9 =	vld [tilespmem:s14+$0x6480]  }
0x119: {  	v10 =	vld [tilespmem:s14+$0x6490]  }
0x11a: {  	v11 =	vld [tilespmem:s14+$0x64A0]  }
0x11b: {  	v12 =	vld [tilespmem:s14+$0x64B0]  }
0x11c: {  	v13 =	vld [tilespmem:s14+$0x64C0]  }
0x11d: {  	v14 =	vld [tilespmem:s14+$0x64D0]  }
0x11e: {  	[tilespmem:s14+$0x12CF0] =	vst.add.f32.msk $0xffff, v0  }
0x11f: {  	v0 =	vld [tilespmem:s14+$0x64E0]  }
0x120: {  	[tilespmem:s14+$0x12C00] =	vst.add.f32.msk $0xffff, v1  }
0x121: {  	[tilespmem:s14+$0x12C10] =	vst.add.f32.msk $0xffff, v2  }
0x122: {  	[tilespmem:s14+$0x12C20] =	vst.add.f32.msk $0xffff, v3  }
0x123: {  	[tilespmem:s14+$0x12C30] =	vst.add.f32.msk $0xffff, v4  }
0x124: {  	[tilespmem:s14+$0x12C40] =	vst.add.f32.msk $0xffff, v5  }
0x125: {  	[tilespmem:s14+$0x12C50] =	vst.add.f32.msk $0xffff, v6  }
0x126: {  	[tilespmem:s14+$0x12C60] =	vst.add.f32.msk $0xffff, v7  }
0x127: {  	[tilespmem:s14+$0x12C70] =	vst.add.f32.msk $0xffff, v8  }
0x128: {  	[tilespmem:s14+$0x12C80] =	vst.add.f32.msk $0xffff, v9  }
0x129: {  	[tilespmem:s14+$0x12C90] =	vst.add.f32.msk $0xffff, v10  }
0x12a: {  	[tilespmem:s14+$0x12CA0] =	vst.add.f32.msk $0xffff, v11  }
0x12b: {  	[tilespmem:s14+$0x12CB0] =	vst.add.f32.msk $0xffff, v12  }
0x12c: {  	[tilespmem:s14+$0x12CC0] =	vst.add.f32.msk $0xffff, v13  }
0x12d: {  	s15 =	simm.s32 $0x0;
	s6 =	simm.s32 $0x400;
	[tilespmem:s14+$0x12CD0] =	vst.add.f32.msk $0xffff, v14  }
.LBB2_9:
0x12e: {  	s15 =	sadd.s32 $0x4, s15;
	[tilespmem:s14+$0x12CE0] =	vst.add.f32.msk $0xffff, v0;
	s14 =	sshra.s32 s6, $0x2  }
0x12f: {  	v0 =	vld [tilespmem:s14+$0x64F0];
	p0 =	slt.u32 s15, $0xC4  }
0x130: {  	v1 =	vld [tilespmem:s14+$0x6400]  }
0x131: {  	v2 =	vld [tilespmem:s14+$0x6410]  }
0x132: {  	v3 =	vld [tilespmem:s14+$0x6420]  }
0x133: {  	v4 =	vld [tilespmem:s14+$0x6430]  }
0x134: {  	[tilespmem:s14+$0x12CF0] =	vst.add.f32.msk $0xffff, v0  }
0x135: {  	v5 =	vld [tilespmem:s14+$0x6440]  }
0x136: {  	v6 =	vld [tilespmem:s14+$0x6450]  }
0x137: {  	v7 =	vld [tilespmem:s14+$0x6460]  }
0x138: {  	v8 =	vld [tilespmem:s14+$0x6470]  }
0x139: {  	v9 =	vld [tilespmem:s14+$0x6480]  }
0x13a: {  	v10 =	vld [tilespmem:s14+$0x6490]  }
0x13b: {  	v11 =	vld [tilespmem:s14+$0x64A0]  }
0x13c: {  	v12 =	vld [tilespmem:s14+$0x64B0]  }
0x13d: {  	v13 =	vld [tilespmem:s14+$0x64C0]  }
0x13e: {  	v14 =	vld [tilespmem:s14+$0x64D0]  }
0x13f: {  	v0 =	vld [tilespmem:s14+$0x64E0]  }
0x140: {  	[tilespmem:s14+$0x12C00] =	vst.add.f32.msk $0xffff, v1  }
0x141: {  	[tilespmem:s14+$0x12C10] =	vst.add.f32.msk $0xffff, v2  }
0x142: {  	[tilespmem:s14+$0x12C20] =	vst.add.f32.msk $0xffff, v3  }
0x143: {  	[tilespmem:s14+$0x12C30] =	vst.add.f32.msk $0xffff, v4  }
0x144: {  	[tilespmem:s14+$0x12C40] =	vst.add.f32.msk $0xffff, v5  }
0x145: {  	[tilespmem:s14+$0x12C50] =	vst.add.f32.msk $0xffff, v6  }
0x146: {  	[tilespmem:s14+$0x12C60] =	vst.add.f32.msk $0xffff, v7  }
0x147: {  	[tilespmem:s14+$0x12C70] =	vst.add.f32.msk $0xffff, v8  }
0x148: {  	[tilespmem:s14+$0x12C80] =	vst.add.f32.msk $0xffff, v9  }
.Ltmp3:
0x149: {  	[tilespmem:s14+$0x12C90] =	vst.add.f32.msk $0xffff, v10;
	(pc) =	sbr.rel @p0 .LBB2_9-.Ltmp3, $4  }
0x14a: {  	[tilespmem:s14+$0x12CA0] =	vst.add.f32.msk $0xffff, v11  }
0x14b: {  	[tilespmem:s14+$0x12CB0] =	vst.add.f32.msk $0xffff, v12  }
0x14c: {  	[tilespmem:s14+$0x12CC0] =	vst.add.f32.msk $0xffff, v13  }
0x14d: {  	s6 =	sadd.s32 $0x400, s6;
	[tilespmem:s14+$0x12CD0] =	vst.add.f32.msk $0xffff, v14  }
0x14e: {  	s0 =	sadd.s32 $0x1, s0  }
0x14f: {  	p0 =	sne.s32 s0, $0x20  }
.Ltmp4:
0x150: {  	s6 =	sadd.s32 s4, s10;
	(pc) =	sbr.rel @p0 .LBB2_2-.Ltmp4, $3  }
0x151: {  	s6 =	smul.u32 $0x640, s6;
	_ =	sdelay $0x1  }
0x152: {  	[tilespmem:s14+$0x12CE0] =	vst.add.f32.msk $0xffff, v0;
	s6 =	sadd.s32 s2, s6  }
0x153: {  	[hbm4b:s6+s3] =	stream.linear.scatter [tilespmem:s22], [sflag:$0x8], $0x3200, $0x38;
	[tilespmem:$0x15E00] =	vst v63  }
0x154: {  	s1 =	sadd.s32 $0x1, s1  }
0x155: {  	_ =	swait.ge [sflag:s30], $0x3200;
	p0 =	sne.s32 s1, s8  }
.Ltmp5:
0x156: {  	[sflag:s30] =	ssyncset.done $0x0;
	(pc) =	sbr.rel @p0 .LBB2_1-.Ltmp5, $4  }
0x157: {  	[sflag:s30] =	ssyncadd.s32 $0xFFFFCE00  }
0x158: {  	_ =	swait.ge [sflag:s31], $0x3200  }
0x159: {  	[sflag:s31] =	ssyncset.done $0x0  }
0x15a: {  	[sflag:s31] =	ssyncadd.s32 $0xFFFFCE00  }
0x15b: {  	_ =	sfence.sel $0x180000  }
0x15c: {  	[bflag:$0x0] =	sbarrier.arrive $0xFFFF  }
0x15d: {  	_ =	strace $0x90000047  }
0x15e: {  	s0 =	stileid.u32;
	[bflag:$0x2] =	sbarrier.arrive $0xFFFF  }
0x15f: {  	p0 =	sne.s32 s0, $0x0;
	s0 =	rddreg [dreg:$0x2]  }
0x160: {  	s0 =	sadd.s32 @!p0 $0x100000, s0  }
0x161: {  	[sflag:s0] =	ssyncadd.tile.s32 @!p0 $0x1;
	_ =	shalt  }
.Lfunc_end2:
_tile_overlayer_lowered:
.L_overlay_start_2:
0x162: {  	(tag) =	ssettag $0x2  }
0x163: {  	s0 =	rddreg [dreg:$0x0];
	s2 =	stileid.u32  }
0x164: {  	s1 =	rddreg [dreg:$0x1];
	p0 =	sne.s32 s2, $0x0  }
0x165: {  	s3 =	rddreg [dreg:$0x2];
	[bflag:$0x3] =	sbarrier.arrive $0xFFFF;
	s2 =	simm.s32 @!p0 $0x1C09  }
0x166: {  	[timem:s3], [sflag:s2] =	dma.local @!p0 [hbm:s0], s1  }
0x167: {  	s0 =	simm.s32 @!p0 $0x9  }
0x168: {  	_ =	swait.ge @!p0 [sflag:s0], s1  }
0x169: {  	s1 =	ssub.s32 @!p0 $0x0, s1;
	[sflag:s0] =	ssyncset.done @!p0 $0x0  }
0x16a: {  	[sflag:s0] =	ssyncadd.s32 @!p0 s1  }
0x16b: {  	[bflag:$0x3] =	sbarrier.arrive $0xFFFF  }
0x16c: {  	_ =	shalt  }

// kernel: sparse-core-data-format-call.cloned.1.call-start
scs
called_computation_lowered:
.L_overlay_start_0:
0x0: {  	s2 =	sld [smem:$0x3FD9]  }
0x1: {  	s3 =	sld [smem:$0x3FFE];
	_ =	sdelay $0x1  }
0x2: {  	s1 =	srdreg.scid  }
0x3: {  	s0 =	sand.u32 $0x1, s1  }
0x4: {  	s18 =	sshll.u32 s0, $0xA;
	s2 =	sadd.s32 s3, s2  }
0x5: {  	s2 =	sadd.s32 s2, s18  }
0x6: {  	[smem:$0x3FC6] =	sst s2  }
0x7: {  	_ = 	snop  }
0x8: {  	s2 =	sld [smem:$0x3FD0];
	(tm) =	ssettm $0x1  }
0x9: {  	s19 =	sld [smem:$0x3FFB];
	_ =	sdelay $0x3  }
0xa: {  	_ =	strace s19  }
0xb: {  	s3 =	sld [smem:$0x3FFC];
	_ =	sdelay $0x3  }
0xc: {  	_ =	strace s3  }
0xd: {  	s3 =	sld [smem:$0x3FFD];
	_ =	sdelay $0x3  }
0xe: {  	_ =	strace s3  }
0xf: {  	_ =	strace $0x8FFFFFFF  }
0x10: {  	s20 =	sld [smem:$0x3FDB];
	_ =	sdelay $0x1  }
0x11: {  	s4 =	simm.s32 $_scs_section_size  }
0x12: {  	s5 =	simm.s32 $_size__tile_overlayer_lowered;
	s6 =	simm.s32 $_tile_overlayer_lowered  }
0x13: {  	s23 =	simm.s32 $0x1BFF;
	s22 =	sshll.u32 s6, $0x1;
	s3 =	sadd.s32 s4, s20  }
0x14: {  	s7 =	simm.s32 $0x0;
	s21 =	sshll.u32 s5, $0x1;
	s5 =	sadd.s32 s22, s3  }
0x15: {  	[timem:s7], [sflag:s23] =	dma.local [hbm:s5], s21  }
0x16: {  	_ =	swait.ge [sflag:s23], s21  }
0x17: {  	s4 =	ssub.s32 $0x0, s21;
	[sflag:s23] =	ssyncset.done $0x0  }
0x18: {  	[sflag:s23] =	ssyncadd.s32 s4;
	_ =	sdelay $0x1  }
0x19: {  	s24 =	simm.s32 $0x1B8B  }
0x1a: {  	_ =	swait.ge [sflag:s24], $0x1  }
0x1b: {  	[sflag:s24] =	ssyncset.done $0x0  }
0x1c: {  	s26 =	simm.s32 $0x1B8E;
	s25 =	sld [smem:$0x3FFE];
	[sflag:s24] =	ssyncadd.s32 $0xFFFFFFFF  }
0x1d: {  	s27 =	simm.s32 $execute0_lowered;
	[smem:$0x3FD2] =	sst s26  }
0x1e: {  	s5 =	sshll.u32 s27, $0x1;
	_ =	strace $0x80000049;
	[dreg:$0x1] =	wrdreg $0xFFFFFFFF  }
0x1f: {  	s28 =	simm.s32 $_size_execute0_lowered;
	s3 =	sadd.s32 s3, s5;
	[dreg:$0x0] =	wrdreg $0x0  }
0x20: {  	s5 =	sshll.u32 s28, $0x1;
	[dreg:$0x2] =	wrdreg s3  }
0x21: {  	[dreg:$0x3] =	wrdreg s5  }
0x22: {  	[dreg:$0x4] =	wrdreg $0xC0  }
0x23: {  	_ =	task [dreg:s7], $0x5FFFF  }
0x24: {  	[dreg:$0x1] =	wrdreg $0xFFFFFFFF  }
0x25: {  	[dreg:$0x0] =	wrdreg $0x60  }
0x26: {  	[dreg:$0x2] =	wrdreg s25  }
0x27: {  	[dreg:$0x3] =	wrdreg s2  }
0x28: {  	[dreg:$0x4] =	wrdreg $0x9  }
0x29: {  	_ =	task.clear_ibuf [dreg:s7], $0x5FFFF;
	_ =	strace $0x90000049  }
0x2a: {  	s29 =	simm.s32 $0x9;
	_ =	strace $0x8000004B  }
0x2b: {  	_ =	swait.ge [sflag:s29], $0x1  }
0x2c: {  	[sflag:s29] =	ssyncadd.s32 $0xFFFFFFFF  }
0x2d: {  	_ =	strace $0x9000004B  }
0x2e: {  	_ =	sfence  }
0x2f: {  	s30 =	sld [smem:$0x0];
	_ =	sdelay $0x2  }
0x30: {  	s31 =	sshll.u32 s1, $0xD;
	s1 =	sshrl.u32 s1, $0x2  }
0x31: {  	s3 =	sand.u32 $0x4000, s31;
	s1 =	sadd.s32 s1, s30  }
0x32: {  	s0 =	sor.u32 s3, s0;
	s1 =	sshll.u32 s1, $0x11  }
0x33: {  	s0 =	sor.u32 s1, s0  }
0x34: {  	s0 =	sadd.s32 $0x8F2B, s0  }
0x35: {  	[sflag:s0] =	ssyncadd.remote.s32 $0x1  }
0x36: {  	_ =	sfence.sel $0xFFFF  }
0x37: {  	[dreg:$0x0] =	wrdreg $0xFFFFFFFF;
	(pc) =	sbr.abs _section_cstart, $3  }
0x38: {  	[dreg:$0x1] =	wrdreg $0xFFFFFFFF  }
0x39: {  	_ =	task.clear_ibuf [dreg:s7], $0x2FFFF;
	_ =	strace $0x9FFFFFFF  }
0x3a: {  	(tm) =	ssettm $0x7FFFFFFF  }
0x3b: {  	_ =	shalt  }
tec
execute0_lowered:
.L_overlay_start_1:
0x0: {  	(tag) =	ssettag $0x1  }
0x1: {  	s0 =	srdreg.scid  }
0x2: {  	s1 =	sshll.u32 s0, $0x4  }
0x3: {  	s0 =	stileid.u32;
	s1 =	sand.u32 $0x10, s1  }
0x4: {  	s1 =	sor.u32 s0, s1  }
0x5: {  	s6 =	rddreg [dreg:$0x0];
	s4 =	simm.s32 $0x1;
	s2 =	sshll.u32 s1, $0x7  }
0x6: {  	s7 =	simm.s32 $0x2;
	s12 =	simm.s32 $0x0;
	s1 =	ssub.s32 $0x1000, s2  }
0x7: {  	s8 =	simm.s32 $0x8000;
	s13 =	simm.s32 $0x0;
	s3 =	sand.u32 $0xF80, s1  }
0x8: {  	s9 =	simm.s32 $0x0;
	s5 =	sshrl.u32 s1, $0xC;
	p0 =	sne.s32 s3, $0x0  }
.Ltmp0:
0x9: {  	s1 =	rddreg [dreg:$0x2];
	s4 =	simm.s32 @!p0 $0x0;
	(pc) =	sbr.rel .LBB1_1-.Ltmp0, $4  }
0xa: {  	s11 =	simm.s32 $0x0;
	s3 =	rddreg [dreg:$0x1];
	s5 =	sadd.s32 s4, s5  }
0xb: {  	_ =	strace $0x8000004A;
	s4 =	simm.s32 $0x1;
	s5 =	smul.u32 $0xC8, s5  }
0xc: {  	s6 =	sadd.s32 $0xC00, s6;
	s10 =	smov.u32 s2;
	[sflag:s4] =	ssyncpa.u1 $0x0  }
0xd: {  	p0 =	por $0x0, $0x0;
	[sflag:s7] =	ssyncpa.u1 $0x0;
	s7 =	sor.u32 $0x1, s5  }
.LBB1_4:
0xe: {  	s16 =	sshll.u32 s13, $0x3;
	s17 =	sand.u32 $0x78, s13  }
0xf: {  	s30 =	sand.u32 $0x7E00, s13;
	s12 =	sshll.u32 s12, $0xF;
	s16 =	sand.u32 $0xC00, s16  }
0x10: {  	[tilespmem:s15+$0x810 ss:$0x81] =	vst.msk $0xffff, v2;
	s31 =	sand.u32 $0x7, s13;
	s16 =	sor.u32 s17, s16;
	s17 =	sadd.s32 s3, s30  }
0x11: {  	[tilespmem:s15+$0x1020 ss:$0x81] =	vst.msk $0xffff, v0;
	s13 =	sshll.u32 s31, $0x12;
	s12 =	sadd.s32 s12, s17;
	s16 =	sshrl.u32 s16, $0x3  }
0x12: {  	[tilespmem:s15+$0x0 ss:$0x81] =	vst.msk $0xffff, v1;
	s13 =	sor.u32 $0x400, s13;
	s12 =	sadd.s32 s16, s12  }
0x13: {  	[hbm4b:s12+s13] =	stream.strided.scatter [tilespmem:s14], [sflag:$0x2], $0x2000, s8, s13, $0x20;
	[tilespmem:$0x8080] =	vst v63  }
.LBB1_5:
0x14: {  	s14 =	sadd.s32 $0x1, s9  }
0x15: {  	s12 =	sadd.s32 $0x1000, s10;
	s16 =	smov.u32 s10;
	p2 =	sgt.s32 s14, $0xC7  }
0x16: {  	s16 =	smov.u32 @p2 s12  }
0x17: {  	s14 =	simm.s32 @p2 $0x0;
	p2 =	sgt.s32 s16, $0xFFF  }
0x18: {  	s16 =	smov.u32 @p2 s2;
	p2 =	sne.s32 s11, s7  }
.Ltmp1:
0x19: {  	p1 =	slt.u32 s11, $0x2;
	(pc) =	sbr.rel @!p2 .LBB1_6-.Ltmp1, $4  }
0x1a: {  	s15 =	simm.s32 @!p1 $0x2  }
0x1b: {  	s13 =	smov.u32 s10;
	p0 =	por !p0, !p0;
	_ =	swait.ge @!p1 [sflag:s15], $0x2000  }
0x1c: {  	s12 =	smov.u32 s9;
	[sflag:s15] =	ssyncset.done @!p1 $0x0;
	s9 =	smov.u32 s14  }
0x1d: {  	s11 =	sadd.s32 $0x1, s11;
	[sflag:s15] =	ssyncadd.s32 @!p1 $0xFFFFE000;
	s10 =	smov.u32 s16  }
.LBB1_1:
0x1e: {  	p1 =	sge.u32 s11, s5  }
0x1f: {  	s14 =	sand.u32 @!p1 $0x1FFFFFF, s9  }
0x20: {  	s15 =	smulhi.u32 @!p1 $0x147AE15, s14;
	_ =	sdelay $0x1  }
0x21: {  	s15 =	smul.u32 @!p1 $0xC8, s15  }
0x22: {  	s16 =	sxor.u32 @!p1 $0xFFFFFFFF, s11;
	s17 =	smul.u32 @!p1 $0xC80, s10  }
0x23: {  	s31 =	sadd.s32 $0xFFFFFFFF, s11;
	s16 =	sshll.u32 @!p1 s16, $0xD;
	s14 =	ssub.s32 @!p1 s14, s15  }
0x24: {  	s15 =	sand.u32 @!p1 $0x2000, s16;
	s16 =	sadd.s32 @!p1 s6, s17;
	s14 =	sshll.u32 @!p1 s14, $0x4  }
0x25: {  	s17 =	simm.s32 @!p1 $0x6400;
	s14 =	sadd.s32 @!p1 s14, s16;
	s16 =	simm.s32 @!p1 $0x40  }
0x26: {  	[tilespmem:s15], [sflag:$0x1] =	stream.strided.gather @!p1 [hbm4b:s14+s16], $0x2000, s17, s16, $0x38;
	[tilespmem:$0x8080] =	vst v63  }
0x27: {  	p1 =	sge.u32 s31, s5  }
.Ltmp2:
0x28: {  	_ = 	snop;
	(pc) =	sbr.rel @p1 .LBB1_5-.Ltmp2, $1  }
0x29: {  	_ =	sdelay $0x3  }
0x2a: {  	s14 =	simm.s32 $0x1  }
0x2b: {  	_ =	swait.ge [sflag:s4], $0x2000;
	s14 =	simm.s32 @!p0 $0x0  }
0x2c: {  	[sflag:s4] =	ssyncset.done $0x0;
	s15 =	sshll.u32 s14, $0xD  }
0x2d: {  	[sflag:s4] =	ssyncadd.s32 $0xFFFFE000;
	s18 =	sor.u32 $0x20, s15  }
0x2e: {  	s14 =	smul.u32 $0x8100, s14;
	v3 =	vld [tilespmem:s18+$0x10]  }
0x2f: {  	s30 =	sand.u32 $0x1, s11;
	v2 =	vld [tilespmem:s18+$0xFFFFFFF0]  }
0x30: {  	s15 =	smul.u32 $0x8100, s30;
	s14 =	sshrl.u32 s14, $0x2;
	v0 =	vld [tilespmem:s18+$0x0]  }
0x31: {  	v1 =	vld [tilespmem:s18+$0xFFFFFFE0];
	s16 =	sor.u32 $0x4000, s14  }
0x32: {  	s31 =	sshrl.u32 s15, $0x2;
	s15 =	sadd.s32 $0x0, s16  }
0x33: {  	s17 =	simm.s32 $0x4;
	s18 =	sadd.s32 $0x40, s18;
	s14 =	sor.u32 $0x4000, s31;
	[tilespmem:s15+$0x1830 ss:$0x81] =	vst.msk $0xffff, v3  }
.LBB1_3:
0x34: {  	v3 =	vld [tilespmem:s18+$0x10];
	p1 =	sne.s32 s17, $0x1FC;
	[tilespmem:s15+$0x810 ss:$0x81] =	vst.msk $0xffff, v2;
	s19 =	smov.u32 s17;
	s17 =	sadd.s32 $0x4, s17  }
.Ltmp3:
0x35: {  	v2 =	vld [tilespmem:s18+$0xFFFFFFF0];
	[tilespmem:s15+$0x1020 ss:$0x81] =	vst.msk $0xffff, v0;
	(pc) =	sbr.rel @p1 .LBB1_3-.Ltmp3, $4  }
0x36: {  	v0 =	vld [tilespmem:s18+$0x0];
	[tilespmem:s15+$0x0 ss:$0x81] =	vst.msk $0xffff, v1  }
0x37: {  	s15 =	sshra.s32 s19, $0x2;
	v1 =	vld [tilespmem:s18+$0xFFFFFFE0]  }
0x38: {  	s15 =	sadd.s32 s15, s16  }
0x39: {  	s18 =	sadd.s32 $0x40, s18;
	[tilespmem:s15+$0x1830 ss:$0x81] =	vst.msk $0xffff, v3  }
.Ltmp4:
0x3a: {  	_ = 	snop;
	(pc) =	sbr.rel .LBB1_4-.Ltmp4, $1  }
0x3b: {  	_ =	sdelay $0x3  }
.LBB1_6:
0x3c: {  	_ =	sfence.sel $0x180000  }
0x3d: {  	s2 =	simm.s32 $0x1;
	[bflag:$0x0] =	sbarrier.arrive $0xFFFF  }
0x3e: {  	s31 =	simm.s32 $0x2;
	[sflag:s2] =	ssyncpa.u1 $0x1  }
0x3f: {  	[sflag:s31] =	ssyncpa.u1 $0x1  }
0x40: {  	p0 =	sne.s32 s0, $0x0;
	_ =	strace $0x9000004A  }
0x41: {  	s0 =	sadd.s32 @!p0 $0x100000, s1;
	[bflag:$0x2] =	sbarrier.arrive $0xFFFF  }
0x42: {  	[sflag:s0] =	ssyncadd.tile.s32 @!p0 $0x1;
	_ =	shalt  }
.Lfunc_end1:
_tile_overlayer_lowered:
.L_overlay_start_2:
0x43: {  	(tag) =	ssettag $0x2  }
0x44: {  	s0 =	rddreg [dreg:$0x0];
	s2 =	stileid.u32  }
0x45: {  	s1 =	rddreg [dreg:$0x1];
	p0 =	sne.s32 s2, $0x0  }
0x46: {  	s3 =	rddreg [dreg:$0x2];
	[bflag:$0x3] =	sbarrier.arrive $0xFFFF;
	s2 =	simm.s32 @!p0 $0x1C01  }
0x47: {  	[timem:s3], [sflag:s2] =	dma.local @!p0 [hbm:s0], s1  }
0x48: {  	s0 =	simm.s32 @!p0 $0x1  }
0x49: {  	_ =	swait.ge @!p0 [sflag:s0], s1  }
0x4a: {  	s1 =	ssub.s32 @!p0 $0x0, s1;
	[sflag:s0] =	ssyncset.done @!p0 $0x0  }
0x4b: {  	[sflag:s0] =	ssyncadd.s32 @!p0 s1  }
0x4c: {  	[bflag:$0x3] =	sbarrier.arrive $0xFFFF  }
0x4d: {  	_ =	shalt  }

</sc_bundles>
